<compile_context>
chip_gen: v7x
topology: tpu7x:2x2x1
jax: 0.10.2.dev20260603
libtpu: 0.0.44.dev20260713+nightly
codegen_flags: <defaults>
</compile_context>

<pallas_src>
import functools

import jax
import jax.numpy as jnp
from jax import lax
from jax.experimental import pallas as pl
from jax.experimental.pallas import tpu as pltpu
from jax.experimental.pallas import tpu_sc as plsc

_NC = 2
_NS = 16
_NW = _NC * _NS
_L = 16


def _sc_hist_item(item_table, hist_flat, hw_flat, B):
    NH = hist_flat.shape[0]
    E = item_table.shape[1]
    H = NH // B
    b_per_w = B // _NW
    CB = 16
    CH = CB * H
    n_chunks = b_per_w // CB

    mesh = plsc.VectorSubcoreMesh(core_axis_name="c", subcore_axis_name="s")

    @functools.partial(
        pl.kernel,
        mesh=mesh,
        compiler_params=pltpu.CompilerParams(use_tc_tiling_on_sc=False,
                                             needs_layout_passes=False),
        out_type=jax.ShapeDtypeStruct((B * E,), jnp.float32),
        scratch_types=[
            pltpu.VMEM((CH,), jnp.int32),
            pltpu.VMEM((CH,), jnp.int32),
            pltpu.VMEM((CH, E), jnp.float32),
            pltpu.VMEM((CH, E), jnp.float32),
            pltpu.VMEM((b_per_w * H,), jnp.float32),
            pltpu.VMEM((b_per_w * E,), jnp.float32),
            pltpu.SemaphoreType.DMA,
            pltpu.SemaphoreType.DMA,
        ],
    )
    def hist_kernel(it_hbm, hid_hbm, hw_hbm, p_out,
                    idx_h0, idx_h1, rows_h0, rows_h1,
                    wv, pool_buf, sem0, sem1):
        wid = lax.axis_index("s") * _NC + lax.axis_index("c")
        base = wid * b_per_w
        hbase = base * H

        wcopy = pltpu.make_async_copy(
            hw_hbm.at[pl.ds(hbase, b_per_w * H)], wv, sem1)
        wcopy.start()

        col = [lax.iota(jnp.int32, _L) + k * _L for k in range(E // _L)]

        def start_gather(c, idx_h, rows_h, sem):
            off = hbase + c * CH
            pltpu.sync_copy(hid_hbm.at[pl.ds(off, CH)], idx_h)
            pltpu.make_async_copy(it_hbm.at[idx_h], rows_h, sem).start()

        def compute_chunk(c, idx_h, rows_h, sem):
            pltpu.make_async_copy(it_hbm.at[idx_h], rows_h, sem).wait()

            @pl.loop(0, CB)
            def _(b):
                rbase = b * H
                wbase = c * CH + rbase

                def jstep(j, acc):
                    rvec = jnp.full((_L,), rbase + j, dtype=jnp.int32)
                    wvec = plsc.load_gather(
                        wv, [jnp.full((_L,), wbase + j, dtype=jnp.int32)])
                    return tuple(
                        acc[k] + wvec * plsc.load_gather(rows_h, [rvec, col[k]])
                        for k in range(E // _L))

                acc = lax.fori_loop(
                    0, H, jstep,
                    tuple(jnp.zeros((_L,), jnp.float32)
                          for _ in range(E // _L)),
                    unroll=5)
                pbase = (c * CB + b) * E
                for k in range(E // _L):
                    pool_buf[pl.ds(pbase + k * _L, _L)] = acc[k]

        start_gather(0, idx_h0, rows_h0, sem0)
        wcopy.wait()

        @pl.loop(0, n_chunks // 2)
        def _(cc):
            c = cc * 2
            start_gather(c + 1, idx_h1, rows_h1, sem1)
            compute_chunk(c, idx_h0, rows_h0, sem0)

            @pl.when(c + 2 < n_chunks)
            def _():
                start_gather(c + 2, idx_h0, rows_h0, sem0)
            compute_chunk(c + 1, idx_h1, rows_h1, sem1)

        pltpu.sync_copy(pool_buf, p_out.at[pl.ds(base * E, b_per_w * E)])

    return hist_kernel(item_table, hist_flat, hw_flat)


def _sc_uvcols(ut_t, it_t, user_id, song_id):
    E, N = ut_t.shape
    B = user_id.shape[0]
    CPW = E // _NW

    mesh = plsc.VectorSubcoreMesh(core_axis_name="c", subcore_axis_name="s")

    @functools.partial(
        pl.kernel,
        mesh=mesh,
        compiler_params=pltpu.CompilerParams(needs_layout_passes=False),
        out_type=[
            jax.ShapeDtypeStruct((E, B), jnp.float32),
            jax.ShapeDtypeStruct((E, B), jnp.float32),
        ],
        scratch_types=[
            pltpu.VMEM((N,), jnp.float32),
            pltpu.VMEM((B,), jnp.int32),
            pltpu.VMEM((B,), jnp.int32),
            pltpu.VMEM((B,), jnp.float32),
        ],
    )
    def uvcol_kernel(ut_hbm, it_hbm, uid_hbm, sid_hbm, u_out, v_out,
                     col_buf, uid_v, sid_v, acc_v):
        wid = lax.axis_index("s") * _NC + lax.axis_index("c")
        pltpu.sync_copy(uid_hbm, uid_v)
        pltpu.sync_copy(sid_hbm, sid_v)

        def one_col(tab_hbm, ids_v, out_ref, c):
            pltpu.sync_copy(tab_hbm.at[c], col_buf)

            @pl.loop(0, B // _L)
            def _(g):
                idvec = ids_v[pl.ds(g * _L, _L)]
                acc_v[pl.ds(g * _L, _L)] = plsc.load_gather(col_buf, [idvec])
            pltpu.sync_copy(acc_v, out_ref.at[c])

        @pl.loop(0, CPW)
        def _(cc):
            c = wid * CPW + cc
            one_col(it_hbm, sid_v, v_out, c)
            one_col(ut_hbm, uid_v, u_out, c)

    return uvcol_kernel(ut_t, it_t, user_id, song_id)


def _tc_mlp(u_t, v_t, pooled, w_t, W1, b1, W2, b2, W3, b3, W_out, b_out):
    E, B = u_t.shape
    H = w_t.shape[0]
    BS = 1024
    grid = (B // BS,)

    def body(u_ref, v_ref, p_ref, w_ref,
             W1_ref, b1_ref, W2_ref, b2_ref, W3_ref, b3_ref,
             Wo_ref, bo_ref, out_ref):
        wsum = jnp.sum(w_ref[...], axis=0)[:, None] + 1e-8
        hist = p_ref[...] / wsum
        uu = u_ref[...].T
        vv = v_ref[...].T
        x = jnp.concatenate([uu, vv, hist], axis=1)
        x = jnp.maximum(jnp.dot(x, W1_ref[...],
                                preferred_element_type=jnp.float32)
                        + b1_ref[...][None, :], 0.0)
        x = jnp.maximum(jnp.dot(x, W2_ref[...],
                                preferred_element_type=jnp.float32)
                        + b2_ref[...][None, :], 0.0)
        x = jnp.maximum(jnp.dot(x, W3_ref[...],
                                preferred_element_type=jnp.float32)
                        + b3_ref[...][None, :], 0.0)
        y = jnp.concatenate([uu * vv, x], axis=1)
        out_ref[...] = (jnp.dot(y, Wo_ref[...],
                                preferred_element_type=jnp.float32)
                        + bo_ref[...][None, :])

    rep = lambda *shape: pl.BlockSpec(shape, lambda i: (0,) * len(shape))
    return pl.pallas_call(
        body,
        grid=grid,
        in_specs=[
            pl.BlockSpec((E, BS), lambda i: (0, i)),
            pl.BlockSpec((E, BS), lambda i: (0, i)),
            pl.BlockSpec((BS, E), lambda i: (i, 0)),
            pl.BlockSpec((H, BS), lambda i: (0, i)),
            rep(*W1.shape), rep(*b1.shape),
            rep(*W2.shape), rep(*b2.shape),
            rep(*W3.shape), rep(*b3.shape),
            rep(*W_out.shape), rep(*b_out.shape),
        ],
        out_specs=pl.BlockSpec((BS, 1), lambda i: (i, 0)),
        out_shape=jax.ShapeDtypeStruct((B, 1), jnp.float32),
    )(u_t, v_t, pooled, w_t, W1, b1, W2, b2, W3, b3, W_out, b_out)


def kernel(user_id, song_id, hist_ids, hist_weights, user_table, item_table,
           W1, b1, W2, b2, W3, b3, W_out, b_out):
    B, H = hist_ids.shape
    N, E = user_table.shape
    hist_flat = hist_ids.reshape(-1)
    hw_flat = hist_weights.reshape(-1)
    ut_t = user_table.T
    it_t = item_table.T
    w_t = hist_weights.T
    u_t, v_t = _sc_uvcols(ut_t, it_t, user_id, song_id)
    hist_flat, u_t = lax.optimization_barrier((hist_flat, u_t))
    pooled_flat = _sc_hist_item(item_table, hist_flat, hw_flat, B)
    pooled = pooled_flat.reshape(B, E)
    return _tc_mlp(u_t, v_t, pooled, w_t,
                   W1, b1, W2, b2, W3, b3, W_out, b_out)

# --- scband reference (transcript-rebuilt; emitter-appended) ---
"""Pipeline reference for scband-neu-mfmodel-47828755808552 (READ-ONLY COPY).

The authoritative reference and input builder live on the scoring server;
editing this copy changes nothing except your own understanding.
"""

import jax, jax.numpy as jnp
import numpy as np

NUM_USERS = 100000
NUM_ITEMS = 100000
EMB = 64
B = 4096
HIST = 50
MLP_DIMS = (256, 128, 64)


def setup_inputs(seed: int = 0) -> dict:
    key = jax.random.key(seed)
    ks = jax.random.split(key, 14)
    user_id = jax.random.randint(ks[0], (B,), 0, NUM_USERS, dtype=jnp.int64 if jax.config.jax_enable_x64 else jnp.int32).astype(jnp.int32)
    song_id = jax.random.randint(ks[1], (B,), 0, NUM_ITEMS).astype(jnp.int32)
    hist_ids = jax.random.randint(ks[2], (B, HIST), 0, NUM_ITEMS).astype(jnp.int32)
    hist_weights = jax.random.uniform(ks[3], (B, HIST), dtype=jnp.float32)
    # learned parameters (glorot-uniform-ish init, shared song embedding per share_emb=True)
    user_table = jax.random.normal(ks[4], (NUM_USERS, EMB), dtype=jnp.float32) * 0.05
    item_table = jax.random.normal(ks[5], (NUM_ITEMS, EMB), dtype=jnp.float32) * 0.05
    d_in = 3 * EMB
    W1 = jax.random.normal(ks[6], (d_in, MLP_DIMS[0]), dtype=jnp.float32) * (1.0 / np.sqrt(d_in))
    b1 = jnp.zeros((MLP_DIMS[0],), dtype=jnp.float32)
    W2 = jax.random.normal(ks[7], (MLP_DIMS[0], MLP_DIMS[1]), dtype=jnp.float32) * (1.0 / np.sqrt(MLP_DIMS[0]))
    b2 = jnp.zeros((MLP_DIMS[1],), dtype=jnp.float32)
    W3 = jax.random.normal(ks[8], (MLP_DIMS[1], MLP_DIMS[2]), dtype=jnp.float32) * (1.0 / np.sqrt(MLP_DIMS[1]))
    b3 = jnp.zeros((MLP_DIMS[2],), dtype=jnp.float32)
    W_out = jax.random.normal(ks[9], (EMB + MLP_DIMS[2], 1), dtype=jnp.float32) * (1.0 / np.sqrt(EMB + MLP_DIMS[2]))
    b_out = jnp.zeros((1,), dtype=jnp.float32)
    return {
        "user_id": user_id,
        "song_id": song_id,
        "hist_ids": hist_ids,
        "hist_weights": hist_weights,
        "user_table": user_table,
        "item_table": item_table,
        "W1": W1, "b1": b1,
        "W2": W2, "b2": b2,
        "W3": W3, "b3": b3,
        "W_out": W_out, "b_out": b_out,
    }


def reference(user_id, song_id, hist_ids, hist_weights, user_table, item_table,
              W1, b1, W2, b2, W3, b3, W_out, b_out):
    # embedding lookups (tf.nn.embedding_lookup -> jnp.take)
    u = jnp.take(user_table, user_id, axis=0)            # [B, EMB]
    v = jnp.take(item_table, song_id, axis=0)            # [B, EMB]
    h = jnp.take(item_table, hist_ids, axis=0)           # [B, HIST, EMB]
    # weighted_sum over history (count-weighted pooling, as in Model.weighted_sum)
    w = hist_weights / (jnp.sum(hist_weights, axis=1, keepdims=True) + 1e-8)
    hist_emb = jnp.einsum('bh,bhd->bd', w, h)            # [B, EMB]
    # NeuMF: GMF branch (elementwise product) + MLP branch (concat factors -> MLP)
    gmf = u * v                                          # [B, EMB]
    x = jnp.concatenate([u, v, hist_emb], axis=1)        # [B, 3*EMB]
    x = jax.nn.relu(x @ W1 + b1)
    x = jax.nn.relu(x @ W2 + b2)
    x = jax.nn.relu(x @ W3 + b3)
    logits = jnp.concatenate([gmf, x], axis=1) @ W_out + b_out  # [B, 1]
    return logits

if __name__ == "__main__":
    import jax
    _d = setup_inputs()
    print(jax.jit(kernel)(*tuple(_d.values())))

</pallas_src>

<mosaic_0001>
#map = affine_map<(d0, d1) -> (0, 0)>
#map1 = affine_map<(d0, d1) -> (0)>
module attributes {stable_mosaic.version = 14 : i64} {
  func.func @hist_kernel(%arg0: i32, %arg1: i32, %arg2: memref<100000x64xf32, #tpu.memory_space<hbm>>, %arg3: memref<204800xi32, #tpu.memory_space<hbm>>, %arg4: memref<204800xf32, #tpu.memory_space<hbm>>, %arg5: memref<262144xf32, #tpu.memory_space<hbm>>, %arg6: memref<800xi32, #tpu.memory_space<vmem>>, %arg7: memref<800xi32, #tpu.memory_space<vmem>>, %arg8: memref<800x64xf32, #tpu.memory_space<vmem>>, %arg9: memref<800x64xf32, #tpu.memory_space<vmem>>, %arg10: memref<6400xf32, #tpu.memory_space<vmem>>, %arg11: memref<8192xf32, #tpu.memory_space<vmem>>, %arg12: memref<!tpu.dma_semaphore, #tpu.memory_space<semaphore_mem>>, %arg13: memref<!tpu.dma_semaphore, #tpu.memory_space<semaphore_mem>>) attributes {dimension_semantics = [#tpu.dimension_semantics<core_parallel>, #tpu.dimension_semantics<subcore_parallel>], iteration_bounds = array<i64: 2, 16>, scalar_prefetch = 0 : i64, scratch_operands = 8 : i64, tpu.core_type = #tpu.core_type<sc_vector_subcore>, window_params = [{transform_indices = #map}, {transform_indices = #map1}, {transform_indices = #map1}, {transform_indices = #map1}]} {
    %mul3A = arith.constant 2 : i32
    %mul3A_0 = arith.muli %arg1, %mul3A : i32
    %add3A = arith.addi %mul3A_0, %arg0 : i32
    %mul3A_1 = arith.constant 128 : i32
    %mul3A_2 = arith.muli %add3A, %mul3A_1 : i32
    %mul3A_3 = arith.constant 50 : i32
    %mul3A_4 = arith.muli %mul3A_2, %mul3A_3 : i32
    %dma_start3A = tpu.memref_slice %arg4[%mul3A_4] : memref<204800xf32, #tpu.memory_space<hbm>> -> memref<6400xf32, #tpu.memory_space<hbm>>
    %dma_start3A_5 = tpu.memref_slice %arg4[%mul3A_4] : memref<204800xf32, #tpu.memory_space<hbm>> -> memref<6400xf32, #tpu.memory_space<hbm>>
    tpu.enqueue_dma source(%dma_start3A_5 : memref<6400xf32, #tpu.memory_space<hbm>>) target(%arg10 : memref<6400xf32, #tpu.memory_space<vmem>>) target_semaphore(%arg13 : memref<!tpu.dma_semaphore, #tpu.memory_space<semaphore_mem>>)
    %iota3A = tpu.iota {dimensions = array<i32: 0>} : vector<16xi32>
    %add3A_6 = arith.constant 0 : i32
    %add3A_7 = vector.broadcast %add3A_6 : i32 to vector<16xi32>
    %add3A_8 = arith.addi %iota3A, %add3A_7 : vector<16xi32>
    %iota3A_9 = tpu.iota {dimensions = array<i32: 0>} : vector<16xi32>
    %add3A_10 = arith.constant 16 : i32
    %add3A_11 = vector.broadcast %add3A_10 : i32 to vector<16xi32>
    %add3A_12 = arith.addi %iota3A_9, %add3A_11 : vector<16xi32>
    %iota3A_13 = tpu.iota {dimensions = array<i32: 0>} : vector<16xi32>
    %add3A_14 = arith.constant 32 : i32
    %add3A_15 = vector.broadcast %add3A_14 : i32 to vector<16xi32>
    %add3A_16 = arith.addi %iota3A_13, %add3A_15 : vector<16xi32>
    %iota3A_17 = tpu.iota {dimensions = array<i32: 0>} : vector<16xi32>
    %add3A_18 = arith.constant 48 : i32
    %add3A_19 = vector.broadcast %add3A_18 : i32 to vector<16xi32>
    %add3A_20 = arith.addi %iota3A_17, %add3A_19 : vector<16xi32>
    %add3A_21 = arith.constant 0 : i32
    %add3A_22 = arith.addi %mul3A_4, %add3A_21 : i32
    "tpu.region"() ({
      %run_scoped3A = tpu.sem_alloc : memref<!tpu.dma_semaphore, #tpu.memory_space<semaphore_mem>>
      %dma_start3A_33 = tpu.memref_slice %arg3[%add3A_22] : memref<204800xi32, #tpu.memory_space<hbm>> -> memref<800xi32, #tpu.memory_space<hbm>>
      %dma_start3A_34 = tpu.memref_slice %arg3[%add3A_22] : memref<204800xi32, #tpu.memory_space<hbm>> -> memref<800xi32, #tpu.memory_space<hbm>>
      tpu.enqueue_dma source(%dma_start3A_34 : memref<800xi32, #tpu.memory_space<hbm>>) target(%arg6 : memref<800xi32, #tpu.memory_space<vmem>>) target_semaphore(%run_scoped3A : memref<!tpu.dma_semaphore, #tpu.memory_space<semaphore_mem>>)
      %dma_wait3A_35 = tpu.memref_slice %arg3[%add3A_22] : memref<204800xi32, #tpu.memory_space<hbm>> -> memref<800xi32, #tpu.memory_space<hbm>>
      %dma_wait3A_36 = tpu.memref_slice %arg3[%add3A_22] : memref<204800xi32, #tpu.memory_space<hbm>> -> memref<800xi32, #tpu.memory_space<hbm>>
      tpu.wait_dma2 semaphore(%run_scoped3A : memref<!tpu.dma_semaphore, #tpu.memory_space<semaphore_mem>>) src(%dma_wait3A_36 : memref<800xi32, #tpu.memory_space<hbm>>) dst(%arg6 : memref<800xi32, #tpu.memory_space<vmem>>)
      tpu.yield
    }) : () -> ()
    %dma_start3A_23 = arith.constant 0 : i32
    %dma_start3A_24 = arith.constant 0 : i32
    %dma_start3A_25 = tpu.memref_slice %arg2[%dma_start3A_23, %dma_start3A_24] : memref<100000x64xf32, #tpu.memory_space<hbm>> -> memref<100000x64xf32, #tpu.memory_space<hbm>>
    tpu.enqueue_indirect_dma source(%dma_start3A_25 : memref<100000x64xf32, #tpu.memory_space<hbm>>) target(%arg8 : memref<800x64xf32, #tpu.memory_space<vmem>>) offsets(%arg6 : memref<800xi32, #tpu.memory_space<vmem>>) semaphore(%arg12 : memref<!tpu.dma_semaphore, #tpu.memory_space<semaphore_mem>>)
    %dma_wait3A = tpu.memref_slice %arg4[%mul3A_4] : memref<204800xf32, #tpu.memory_space<hbm>> -> memref<6400xf32, #tpu.memory_space<hbm>>
    %dma_wait3A_26 = tpu.memref_slice %arg4[%mul3A_4] : memref<204800xf32, #tpu.memory_space<hbm>> -> memref<6400xf32, #tpu.memory_space<hbm>>
    tpu.wait_dma2 semaphore(%arg13 : memref<!tpu.dma_semaphore, #tpu.memory_space<semaphore_mem>>) src(%dma_wait3A_26 : memref<6400xf32, #tpu.memory_space<hbm>>) dst(%arg10 : memref<6400xf32, #tpu.memory_space<vmem>>)
    %scan3A = arith.constant 0 : i32
    %scan3A_27 = arith.constant 4 : i32
    %scan3A_28 = arith.addi %scan3A, %scan3A_27 : i32
    %scan3A_29 = arith.constant 1 : i32
    scf.for %scan3A_33 = %scan3A to %scan3A_28 step %scan3A_29  : i32 {
      %mul3A_34 = arith.constant 1 : i32
      %mul3A_35 = arith.muli %scan3A_33, %mul3A_34 : i32
      %add3A_36 = arith.constant 0 : i32
      %add3A_37 = arith.addi %add3A_36, %mul3A_35 : i32
      %mul3A_38 = arith.constant 2 : i32
      %mul3A_39 = arith.muli %add3A_37, %mul3A_38 : i32
      %add3A_40 = arith.constant 1 : i32
      %add3A_41 = arith.addi %mul3A_39, %add3A_40 : i32
      %mul3A_42 = arith.constant 800 : i32
      %mul3A_43 = arith.muli %add3A_41, %mul3A_42 : i32
      %add3A_44 = arith.addi %mul3A_4, %mul3A_43 : i32
      "tpu.region"() ({
        %run_scoped3A = tpu.sem_alloc : memref<!tpu.dma_semaphore, #tpu.memory_space<semaphore_mem>>
        %dma_start3A_70 = tpu.memref_slice %arg3[%add3A_44] : memref<204800xi32, #tpu.memory_space<hbm>> -> memref<800xi32, #tpu.memory_space<hbm>>
        %dma_start3A_71 = tpu.memref_slice %arg3[%add3A_44] : memref<204800xi32, #tpu.memory_space<hbm>> -> memref<800xi32, #tpu.memory_space<hbm>>
        tpu.enqueue_dma source(%dma_start3A_71 : memref<800xi32, #tpu.memory_space<hbm>>) target(%arg7 : memref<800xi32, #tpu.memory_space<vmem>>) target_semaphore(%run_scoped3A : memref<!tpu.dma_semaphore, #tpu.memory_space<semaphore_mem>>)
        %dma_wait3A_72 = tpu.memref_slice %arg3[%add3A_44] : memref<204800xi32, #tpu.memory_space<hbm>> -> memref<800xi32, #tpu.memory_space<hbm>>
        %dma_wait3A_73 = tpu.memref_slice %arg3[%add3A_44] : memref<204800xi32, #tpu.memory_space<hbm>> -> memref<800xi32, #tpu.memory_space<hbm>>
        tpu.wait_dma2 semaphore(%run_scoped3A : memref<!tpu.dma_semaphore, #tpu.memory_space<semaphore_mem>>) src(%dma_wait3A_73 : memref<800xi32, #tpu.memory_space<hbm>>) dst(%arg7 : memref<800xi32, #tpu.memory_space<vmem>>)
        tpu.yield
      }) : () -> ()
      %dma_start3A_45 = arith.constant 0 : i32
      %dma_start3A_46 = arith.constant 0 : i32
      %dma_start3A_47 = tpu.memref_slice %arg2[%dma_start3A_45, %dma_start3A_46] : memref<100000x64xf32, #tpu.memory_space<hbm>> -> memref<100000x64xf32, #tpu.memory_space<hbm>>
      tpu.enqueue_indirect_dma source(%dma_start3A_47 : memref<100000x64xf32, #tpu.memory_space<hbm>>) target(%arg9 : memref<800x64xf32, #tpu.memory_space<vmem>>) offsets(%arg7 : memref<800xi32, #tpu.memory_space<vmem>>) semaphore(%arg13 : memref<!tpu.dma_semaphore, #tpu.memory_space<semaphore_mem>>)
      %dma_wait3A_48 = arith.constant 0 : i32
      %dma_wait3A_49 = arith.constant 0 : i32
      %dma_wait3A_50 = tpu.memref_slice %arg2[%dma_wait3A_48, %dma_wait3A_49] : memref<100000x64xf32, #tpu.memory_space<hbm>> -> memref<100000x64xf32, #tpu.memory_space<hbm>>
      tpu.wait_indirect_dma semaphore(%arg12 : memref<!tpu.dma_semaphore, #tpu.memory_space<semaphore_mem>>) src(%dma_wait3A_50 : memref<100000x64xf32, #tpu.memory_space<hbm>>) dst(%arg8 : memref<800x64xf32, #tpu.memory_space<vmem>>)
      %scan3A_51 = arith.constant 0 : i32
      %scan3A_52 = arith.constant 16 : i32
      %scan3A_53 = arith.addi %scan3A_51, %scan3A_52 : i32
      %scan3A_54 = arith.constant 1 : i32
      scf.for %scan3A_70 = %scan3A_51 to %scan3A_53 step %scan3A_54  : i32 {
        %mul3A_71 = arith.constant 1 : i32
        %mul3A_72 = arith.muli %scan3A_70, %mul3A_71 : i32
        %add3A_73 = arith.constant 0 : i32
        %add3A_74 = arith.addi %add3A_73, %mul3A_72 : i32
        %mul3A_75 = arith.constant 50 : i32
        %mul3A_76 = arith.muli %add3A_74, %mul3A_75 : i32
        %mul3A_77 = arith.constant 800 : i32
        %mul3A_78 = arith.muli %mul3A_39, %mul3A_77 : i32
        %add3A_79 = arith.addi %mul3A_78, %mul3A_76 : i32
        %broadcast_in_dim3A = arith.constant 0.000000e+00 : f32
        %broadcast_in_dim3A_80 = vector.broadcast %broadcast_in_dim3A : f32 to vector<16xf32>
        %broadcast_in_dim3A_81 = arith.constant 0.000000e+00 : f32
        %broadcast_in_dim3A_82 = vector.broadcast %broadcast_in_dim3A_81 : f32 to vector<16xf32>
        %broadcast_in_dim3A_83 = arith.constant 0.000000e+00 : f32
        %broadcast_in_dim3A_84 = vector.broadcast %broadcast_in_dim3A_83 : f32 to vector<16xf32>
        %broadcast_in_dim3A_85 = arith.constant 0.000000e+00 : f32
        %broadcast_in_dim3A_86 = vector.broadcast %broadcast_in_dim3A_85 : f32 to vector<16xf32>
        %scan3A_87 = arith.constant 0 : i32
        %scan3A_88 = arith.constant 50 : i32
        %scan3A_89 = arith.addi %scan3A_87, %scan3A_88 : i32
        %scan3A_90 = arith.constant 5 : i32
        %scan3A_91:4 = scf.for %scan3A_113 = %scan3A_87 to %scan3A_89 step %scan3A_90 iter_args(%scan3A_114 = %broadcast_in_dim3A_80, %scan3A_115 = %broadcast_in_dim3A_82, %scan3A_116 = %broadcast_in_dim3A_84, %scan3A_117 = %broadcast_in_dim3A_86) -> (vector<16xf32>, vector<16xf32>, vector<16xf32>, vector<16xf32>)  : i32 {
          %add3A_118 = arith.addi %mul3A_76, %scan3A_113 : i32
          %broadcast_in_dim3A_119 = vector.broadcast %add3A_118 : i32 to vector<16xi32>
          %add3A_120 = arith.addi %add3A_79, %scan3A_113 : i32
          %broadcast_in_dim3A_121 = vector.broadcast %add3A_120 : i32 to vector<16xi32>
          %gather3A = tpu.vector_load_idx %arg10[%broadcast_in_dim3A_121] : memref<6400xf32, #tpu.memory_space<vmem>>[vector<16xi32>], vector<16xf32>,
          %gather3A_122 = tpu.vector_load_idx %arg8[%broadcast_in_dim3A_119, %add3A_8] : memref<800x64xf32, #tpu.memory_space<vmem>>[vector<16xi32>, vector<16xi32>], vector<16xf32>,
          %mul3A_123 = arith.mulf %gather3A, %gather3A_122 : vector<16xf32>
          %add3A_124 = arith.addf %scan3A_114, %mul3A_123 : vector<16xf32>
          %gather3A_125 = tpu.vector_load_idx %arg8[%broadcast_in_dim3A_119, %add3A_12] : memref<800x64xf32, #tpu.memory_space<vmem>>[vector<16xi32>, vector<16xi32>], vector<16xf32>,
          %mul3A_126 = arith.mulf %gather3A, %gather3A_125 : vector<16xf32>
          %add3A_127 = arith.addf %scan3A_115, %mul3A_126 : vector<16xf32>
          %gather3A_128 = tpu.vector_load_idx %arg8[%broadcast_in_dim3A_119, %add3A_16] : memref<800x64xf32, #tpu.memory_space<vmem>>[vector<16xi32>, vector<16xi32>], vector<16xf32>,
          %mul3A_129 = arith.mulf %gather3A, %gather3A_128 : vector<16xf32>
          %add3A_130 = arith.addf %scan3A_116, %mul3A_129 : vector<16xf32>
          %gather3A_131 = tpu.vector_load_idx %arg8[%broadcast_in_dim3A_119, %add3A_20] : memref<800x64xf32, #tpu.memory_space<vmem>>[vector<16xi32>, vector<16xi32>], vector<16xf32>,
          %mul3A_132 = arith.mulf %gather3A, %gather3A_131 : vector<16xf32>
          %add3A_133 = arith.addf %scan3A_117, %mul3A_132 : vector<16xf32>
          %scan3A_134 = arith.constant 1 : i32
          %scan3A_135 = arith.addi %scan3A_113, %scan3A_134 : i32
          %add3A_136 = arith.addi %mul3A_76, %scan3A_135 : i32
          %broadcast_in_dim3A_137 = vector.broadcast %add3A_136 : i32 to vector<16xi32>
          %add3A_138 = arith.addi %add3A_79, %scan3A_135 : i32
          %broadcast_in_dim3A_139 = vector.broadcast %add3A_138 : i32 to vector<16xi32>
          %gather3A_140 = tpu.vector_load_idx %arg10[%broadcast_in_dim3A_139] : memref<6400xf32, #tpu.memory_space<vmem>>[vector<16xi32>], vector<16xf32>,
          %gather3A_141 = tpu.vector_load_idx %arg8[%broadcast_in_dim3A_137, %add3A_8] : memref<800x64xf32, #tpu.memory_space<vmem>>[vector<16xi32>, vector<16xi32>], vector<16xf32>,
          %mul3A_142 = arith.mulf %gather3A_140, %gather3A_141 : vector<16xf32>
          %add3A_143 = arith.addf %add3A_124, %mul3A_142 : vector<16xf32>
          %gather3A_144 = tpu.vector_load_idx %arg8[%broadcast_in_dim3A_137, %add3A_12] : memref<800x64xf32, #tpu.memory_space<vmem>>[vector<16xi32>, vector<16xi32>], vector<16xf32>,
          %mul3A_145 = arith.mulf %gather3A_140, %gather3A_144 : vector<16xf32>
          %add3A_146 = arith.addf %add3A_127, %mul3A_145 : vector<16xf32>
          %gather3A_147 = tpu.vector_load_idx %arg8[%broadcast_in_dim3A_137, %add3A_16] : memref<800x64xf32, #tpu.memory_space<vmem>>[vector<16xi32>, vector<16xi32>], vector<16xf32>,
          %mul3A_148 = arith.mulf %gather3A_140, %gather3A_147 : vector<16xf32>
          %add3A_149 = arith.addf %add3A_130, %mul3A_148 : vector<16xf32>
          %gather3A_150 = tpu.vector_load_idx %arg8[%broadcast_in_dim3A_137, %add3A_20] : memref<800x64xf32, #tpu.memory_space<vmem>>[vector<16xi32>, vector<16xi32>], vector<16xf32>,
          %mul3A_151 = arith.mulf %gather3A_140, %gather3A_150 : vector<16xf32>
          %add3A_152 = arith.addf %add3A_133, %mul3A_151 : vector<16xf32>
          %scan3A_153 = arith.constant 2 : i32
          %scan3A_154 = arith.addi %scan3A_113, %scan3A_153 : i32
          %add3A_155 = arith.addi %mul3A_76, %scan3A_154 : i32
          %broadcast_in_dim3A_156 = vector.broadcast %add3A_155 : i32 to vector<16xi32>
          %add3A_157 = arith.addi %add3A_79, %scan3A_154 : i32
          %broadcast_in_dim3A_158 = vector.broadcast %add3A_157 : i32 to vector<16xi32>
          %gather3A_159 = tpu.vector_load_idx %arg10[%broadcast_in_dim3A_158] : memref<6400xf32, #tpu.memory_space<vmem>>[vector<16xi32>], vector<16xf32>,
          %gather3A_160 = tpu.vector_load_idx %arg8[%broadcast_in_dim3A_156, %add3A_8] : memref<800x64xf32, #tpu.memory_space<vmem>>[vector<16xi32>, vector<16xi32>], vector<16xf32>,
          %mul3A_161 = arith.mulf %gather3A_159, %gather3A_160 : vector<16xf32>
          %add3A_162 = arith.addf %add3A_143, %mul3A_161 : vector<16xf32>
          %gather3A_163 = tpu.vector_load_idx %arg8[%broadcast_in_dim3A_156, %add3A_12] : memref<800x64xf32, #tpu.memory_space<vmem>>[vector<16xi32>, vector<16xi32>], vector<16xf32>,
          %mul3A_164 = arith.mulf %gather3A_159, %gather3A_163 : vector<16xf32>
          %add3A_165 = arith.addf %add3A_146, %mul3A_164 : vector<16xf32>
          %gather3A_166 = tpu.vector_load_idx %arg8[%broadcast_in_dim3A_156, %add3A_16] : memref<800x64xf32, #tpu.memory_space<vmem>>[vector<16xi32>, vector<16xi32>], vector<16xf32>,
          %mul3A_167 = arith.mulf %gather3A_159, %gather3A_166 : vector<16xf32>
          %add3A_168 = arith.addf %add3A_149, %mul3A_167 : vector<16xf32>
          %gather3A_169 = tpu.vector_load_idx %arg8[%broadcast_in_dim3A_156, %add3A_20] : memref<800x64xf32, #tpu.memory_space<vmem>>[vector<16xi32>, vector<16xi32>], vector<16xf32>,
          %mul3A_170 = arith.mulf %gather3A_159, %gather3A_169 : vector<16xf32>
          %add3A_171 = arith.addf %add3A_152, %mul3A_170 : vector<16xf32>
          %scan3A_172 = arith.constant 3 : i32
          %scan3A_173 = arith.addi %scan3A_113, %scan3A_172 : i32
          %add3A_174 = arith.addi %mul3A_76, %scan3A_173 : i32
          %broadcast_in_dim3A_175 = vector.broadcast %add3A_174 : i32 to vector<16xi32>
          %add3A_176 = arith.addi %add3A_79, %scan3A_173 : i32
          %broadcast_in_dim3A_177 = vector.broadcast %add3A_176 : i32 to vector<16xi32>
          %gather3A_178 = tpu.vector_load_idx %arg10[%broadcast_in_dim3A_177] : memref<6400xf32, #tpu.memory_space<vmem>>[vector<16xi32>], vector<16xf32>,
          %gather3A_179 = tpu.vector_load_idx %arg8[%broadcast_in_dim3A_175, %add3A_8] : memref<800x64xf32, #tpu.memory_space<vmem>>[vector<16xi32>, vector<16xi32>], vector<16xf32>,
          %mul3A_180 = arith.mulf %gather3A_178, %gather3A_179 : vector<16xf32>
          %add3A_181 = arith.addf %add3A_162, %mul3A_180 : vector<16xf32>
          %gather3A_182 = tpu.vector_load_idx %arg8[%broadcast_in_dim3A_175, %add3A_12] : memref<800x64xf32, #tpu.memory_space<vmem>>[vector<16xi32>, vector<16xi32>], vector<16xf32>,
          %mul3A_183 = arith.mulf %gather3A_178, %gather3A_182 : vector<16xf32>
          %add3A_184 = arith.addf %add3A_165, %mul3A_183 : vector<16xf32>
          %gather3A_185 = tpu.vector_load_idx %arg8[%broadcast_in_dim3A_175, %add3A_16] : memref<800x64xf32, #tpu.memory_space<vmem>>[vector<16xi32>, vector<16xi32>], vector<16xf32>,
          %mul3A_186 = arith.mulf %gather3A_178, %gather3A_185 : vector<16xf32>
          %add3A_187 = arith.addf %add3A_168, %mul3A_186 : vector<16xf32>
          %gather3A_188 = tpu.vector_load_idx %arg8[%broadcast_in_dim3A_175, %add3A_20] : memref<800x64xf32, #tpu.memory_space<vmem>>[vector<16xi32>, vector<16xi32>], vector<16xf32>,
          %mul3A_189 = arith.mulf %gather3A_178, %gather3A_188 : vector<16xf32>
          %add3A_190 = arith.addf %add3A_171, %mul3A_189 : vector<16xf32>
          %scan3A_191 = arith.constant 4 : i32
          %scan3A_192 = arith.addi %scan3A_113, %scan3A_191 : i32
          %add3A_193 = arith.addi %mul3A_76, %scan3A_192 : i32
          %broadcast_in_dim3A_194 = vector.broadcast %add3A_193 : i32 to vector<16xi32>
          %add3A_195 = arith.addi %add3A_79, %scan3A_192 : i32
          %broadcast_in_dim3A_196 = vector.broadcast %add3A_195 : i32 to vector<16xi32>
          %gather3A_197 = tpu.vector_load_idx %arg10[%broadcast_in_dim3A_196] : memref<6400xf32, #tpu.memory_space<vmem>>[vector<16xi32>], vector<16xf32>,
          %gather3A_198 = tpu.vector_load_idx %arg8[%broadcast_in_dim3A_194, %add3A_8] : memref<800x64xf32, #tpu.memory_space<vmem>>[vector<16xi32>, vector<16xi32>], vector<16xf32>,
          %mul3A_199 = arith.mulf %gather3A_197, %gather3A_198 : vector<16xf32>
          %add3A_200 = arith.addf %add3A_181, %mul3A_199 : vector<16xf32>
          %gather3A_201 = tpu.vector_load_idx %arg8[%broadcast_in_dim3A_194, %add3A_12] : memref<800x64xf32, #tpu.memory_space<vmem>>[vector<16xi32>, vector<16xi32>], vector<16xf32>,
          %mul3A_202 = arith.mulf %gather3A_197, %gather3A_201 : vector<16xf32>
          %add3A_203 = arith.addf %add3A_184, %mul3A_202 : vector<16xf32>
          %gather3A_204 = tpu.vector_load_idx %arg8[%broadcast_in_dim3A_194, %add3A_16] : memref<800x64xf32, #tpu.memory_space<vmem>>[vector<16xi32>, vector<16xi32>], vector<16xf32>,
          %mul3A_205 = arith.mulf %gather3A_197, %gather3A_204 : vector<16xf32>
          %add3A_206 = arith.addf %add3A_187, %mul3A_205 : vector<16xf32>
          %gather3A_207 = tpu.vector_load_idx %arg8[%broadcast_in_dim3A_194, %add3A_20] : memref<800x64xf32, #tpu.memory_space<vmem>>[vector<16xi32>, vector<16xi32>], vector<16xf32>,
          %mul3A_208 = arith.mulf %gather3A_197, %gather3A_207 : vector<16xf32>
          %add3A_209 = arith.addf %add3A_190, %mul3A_208 : vector<16xf32>
          scf.yield %add3A_200, %add3A_203, %add3A_206, %add3A_209 : vector<16xf32>, vector<16xf32>, vector<16xf32>, vector<16xf32>
        }
        %scan3A_92 = arith.constant 50 : i32
        %mul3A_93 = arith.constant 16 : i32
        %mul3A_94 = arith.muli %mul3A_39, %mul3A_93 : i32
        %add3A_95 = arith.addi %mul3A_94, %add3A_74 : i32
        %mul3A_96 = arith.constant 64 : i32
        %mul3A_97 = arith.muli %add3A_95, %mul3A_96 : i32
        %add3A_98 = arith.constant 0 : i32
        %add3A_99 = arith.addi %mul3A_97, %add3A_98 : i32
        %swap3A = arith.index_cast %add3A_99 : i32 to index
        %swap3A_100 = tpu.vector_load %arg11[%swap3A] {strides = array<i32>} : memref<8192xf32, #tpu.memory_space<vmem>>, vector<16xf32>,
        tpu.vector_store %arg11[%swap3A], %scan3A_91#0 {strides = array<i32>} : memref<8192xf32, #tpu.memory_space<vmem>>, vector<16xf32>,
        %add3A_101 = arith.constant 16 : i32
        %add3A_102 = arith.addi %mul3A_97, %add3A_101 : i32
        %swap3A_103 = arith.index_cast %add3A_102 : i32 to index
        %swap3A_104 = tpu.vector_load %arg11[%swap3A_103] {strides = array<i32>} : memref<8192xf32, #tpu.memory_space<vmem>>, vector<16xf32>,
        tpu.vector_store %arg11[%swap3A_103], %scan3A_91#1 {strides = array<i32>} : memref<8192xf32, #tpu.memory_space<vmem>>, vector<16xf32>,
        %add3A_105 = arith.constant 32 : i32
        %add3A_106 = arith.addi %mul3A_97, %add3A_105 : i32
        %swap3A_107 = arith.index_cast %add3A_106 : i32 to index
        %swap3A_108 = tpu.vector_load %arg11[%swap3A_107] {strides = array<i32>} : memref<8192xf32, #tpu.memory_space<vmem>>, vector<16xf32>,
        tpu.vector_store %arg11[%swap3A_107], %scan3A_91#2 {strides = array<i32>} : memref<8192xf32, #tpu.memory_space<vmem>>, vector<16xf32>,
        %add3A_109 = arith.constant 48 : i32
        %add3A_110 = arith.addi %mul3A_97, %add3A_109 : i32
        %swap3A_111 = arith.index_cast %add3A_110 : i32 to index
        %swap3A_112 = tpu.vector_load %arg11[%swap3A_111] {strides = array<i32>} : memref<8192xf32, #tpu.memory_space<vmem>>, vector<16xf32>,
        tpu.vector_store %arg11[%swap3A_111], %scan3A_91#3 {strides = array<i32>} : memref<8192xf32, #tpu.memory_space<vmem>>, vector<16xf32>,
      }
      %scan3A_55 = arith.constant 16 : i32
      %add3A_56 = arith.constant 2 : i32
      %add3A_57 = arith.addi %mul3A_39, %add3A_56 : i32
      %lt3A = arith.constant 8 : i32
      %lt3A_58 = arith.cmpi slt, %add3A_57, %lt3A : i32
      %convert_element_type3A = arith.extui %lt3A_58 : i1 to i32
      %cond3A = arith.constant 0 : i32
      %cond3A_59 = arith.cmpi ne, %convert_element_type3A, %cond3A : i32
      scf.if %cond3A_59 {
        %add3A_70 = arith.constant 2 : i32
        %add3A_71 = arith.addi %mul3A_39, %add3A_70 : i32
        %mul3A_72 = arith.constant 800 : i32
        %mul3A_73 = arith.muli %add3A_71, %mul3A_72 : i32
        %add3A_74 = arith.addi %mul3A_4, %mul3A_73 : i32
        "tpu.region"() ({
          %run_scoped3A = tpu.sem_alloc : memref<!tpu.dma_semaphore, #tpu.memory_space<semaphore_mem>>
          %dma_start3A_78 = tpu.memref_slice %arg3[%add3A_74] : memref<204800xi32, #tpu.memory_space<hbm>> -> memref<800xi32, #tpu.memory_space<hbm>>
          %dma_start3A_79 = tpu.memref_slice %arg3[%add3A_74] : memref<204800xi32, #tpu.memory_space<hbm>> -> memref<800xi32, #tpu.memory_space<hbm>>
          tpu.enqueue_dma source(%dma_start3A_79 : memref<800xi32, #tpu.memory_space<hbm>>) target(%arg6 : memref<800xi32, #tpu.memory_space<vmem>>) target_semaphore(%run_scoped3A : memref<!tpu.dma_semaphore, #tpu.memory_space<semaphore_mem>>)
          %dma_wait3A_80 = tpu.memref_slice %arg3[%add3A_74] : memref<204800xi32, #tpu.memory_space<hbm>> -> memref<800xi32, #tpu.memory_space<hbm>>
          %dma_wait3A_81 = tpu.memref_slice %arg3[%add3A_74] : memref<204800xi32, #tpu.memory_space<hbm>> -> memref<800xi32, #tpu.memory_space<hbm>>
          tpu.wait_dma2 semaphore(%run_scoped3A : memref<!tpu.dma_semaphore, #tpu.memory_space<semaphore_mem>>) src(%dma_wait3A_81 : memref<800xi32, #tpu.memory_space<hbm>>) dst(%arg6 : memref<800xi32, #tpu.memory_space<vmem>>)
          tpu.yield
        }) : () -> ()
        %dma_start3A_75 = arith.constant 0 : i32
        %dma_start3A_76 = arith.constant 0 : i32
        %dma_start3A_77 = tpu.memref_slice %arg2[%dma_start3A_75, %dma_start3A_76] : memref<100000x64xf32, #tpu.memory_space<hbm>> -> memref<100000x64xf32, #tpu.memory_space<hbm>>
        tpu.enqueue_indirect_dma source(%dma_start3A_77 : memref<100000x64xf32, #tpu.memory_space<hbm>>) target(%arg8 : memref<800x64xf32, #tpu.memory_space<vmem>>) offsets(%arg6 : memref<800xi32, #tpu.memory_space<vmem>>) semaphore(%arg12 : memref<!tpu.dma_semaphore, #tpu.memory_space<semaphore_mem>>)
      } else {
      }
      %add3A_60 = arith.constant 1 : i32
      %add3A_61 = arith.addi %mul3A_39, %add3A_60 : i32
      %dma_wait3A_62 = arith.constant 0 : i32
      %dma_wait3A_63 = arith.constant 0 : i32
      %dma_wait3A_64 = tpu.memref_slice %arg2[%dma_wait3A_62, %dma_wait3A_63] : memref<100000x64xf32, #tpu.memory_space<hbm>> -> memref<100000x64xf32, #tpu.memory_space<hbm>>
      tpu.wait_indirect_dma semaphore(%arg13 : memref<!tpu.dma_semaphore, #tpu.memory_space<semaphore_mem>>) src(%dma_wait3A_64 : memref<100000x64xf32, #tpu.memory_space<hbm>>) dst(%arg9 : memref<800x64xf32, #tpu.memory_space<vmem>>)
      %scan3A_65 = arith.constant 0 : i32
      %scan3A_66 = arith.constant 16 : i32
      %scan3A_67 = arith.addi %scan3A_65, %scan3A_66 : i32
      %scan3A_68 = arith.constant 1 : i32
      scf.for %scan3A_70 = %scan3A_65 to %scan3A_67 step %scan3A_68  : i32 {
        %mul3A_71 = arith.constant 1 : i32
        %mul3A_72 = arith.muli %scan3A_70, %mul3A_71 : i32
        %add3A_73 = arith.constant 0 : i32
        %add3A_74 = arith.addi %add3A_73, %mul3A_72 : i32
        %mul3A_75 = arith.constant 50 : i32
        %mul3A_76 = arith.muli %add3A_74, %mul3A_75 : i32
        %mul3A_77 = arith.constant 800 : i32
        %mul3A_78 = arith.muli %add3A_61, %mul3A_77 : i32
        %add3A_79 = arith.addi %mul3A_78, %mul3A_76 : i32
        %broadcast_in_dim3A = arith.constant 0.000000e+00 : f32
        %broadcast_in_dim3A_80 = vector.broadcast %broadcast_in_dim3A : f32 to vector<16xf32>
        %broadcast_in_dim3A_81 = arith.constant 0.000000e+00 : f32
        %broadcast_in_dim3A_82 = vector.broadcast %broadcast_in_dim3A_81 : f32 to vector<16xf32>
        %broadcast_in_dim3A_83 = arith.constant 0.000000e+00 : f32
        %broadcast_in_dim3A_84 = vector.broadcast %broadcast_in_dim3A_83 : f32 to vector<16xf32>
        %broadcast_in_dim3A_85 = arith.constant 0.000000e+00 : f32
        %broadcast_in_dim3A_86 = vector.broadcast %broadcast_in_dim3A_85 : f32 to vector<16xf32>
        %scan3A_87 = arith.constant 0 : i32
        %scan3A_88 = arith.constant 50 : i32
        %scan3A_89 = arith.addi %scan3A_87, %scan3A_88 : i32
        %scan3A_90 = arith.constant 5 : i32
        %scan3A_91:4 = scf.for %scan3A_113 = %scan3A_87 to %scan3A_89 step %scan3A_90 iter_args(%scan3A_114 = %broadcast_in_dim3A_80, %scan3A_115 = %broadcast_in_dim3A_82, %scan3A_116 = %broadcast_in_dim3A_84, %scan3A_117 = %broadcast_in_dim3A_86) -> (vector<16xf32>, vector<16xf32>, vector<16xf32>, vector<16xf32>)  : i32 {
          %add3A_118 = arith.addi %mul3A_76, %scan3A_113 : i32
          %broadcast_in_dim3A_119 = vector.broadcast %add3A_118 : i32 to vector<16xi32>
          %add3A_120 = arith.addi %add3A_79, %scan3A_113 : i32
          %broadcast_in_dim3A_121 = vector.broadcast %add3A_120 : i32 to vector<16xi32>
          %gather3A = tpu.vector_load_idx %arg10[%broadcast_in_dim3A_121] : memref<6400xf32, #tpu.memory_space<vmem>>[vector<16xi32>], vector<16xf32>,
          %gather3A_122 = tpu.vector_load_idx %arg9[%broadcast_in_dim3A_119, %add3A_8] : memref<800x64xf32, #tpu.memory_space<vmem>>[vector<16xi32>, vector<16xi32>], vector<16xf32>,
          %mul3A_123 = arith.mulf %gather3A, %gather3A_122 : vector<16xf32>
          %add3A_124 = arith.addf %scan3A_114, %mul3A_123 : vector<16xf32>
          %gather3A_125 = tpu.vector_load_idx %arg9[%broadcast_in_dim3A_119, %add3A_12] : memref<800x64xf32, #tpu.memory_space<vmem>>[vector<16xi32>, vector<16xi32>], vector<16xf32>,
          %mul3A_126 = arith.mulf %gather3A, %gather3A_125 : vector<16xf32>
          %add3A_127 = arith.addf %scan3A_115, %mul3A_126 : vector<16xf32>
          %gather3A_128 = tpu.vector_load_idx %arg9[%broadcast_in_dim3A_119, %add3A_16] : memref<800x64xf32, #tpu.memory_space<vmem>>[vector<16xi32>, vector<16xi32>], vector<16xf32>,
          %mul3A_129 = arith.mulf %gather3A, %gather3A_128 : vector<16xf32>
          %add3A_130 = arith.addf %scan3A_116, %mul3A_129 : vector<16xf32>
          %gather3A_131 = tpu.vector_load_idx %arg9[%broadcast_in_dim3A_119, %add3A_20] : memref<800x64xf32, #tpu.memory_space<vmem>>[vector<16xi32>, vector<16xi32>], vector<16xf32>,
          %mul3A_132 = arith.mulf %gather3A, %gather3A_131 : vector<16xf32>
          %add3A_133 = arith.addf %scan3A_117, %mul3A_132 : vector<16xf32>
          %scan3A_134 = arith.constant 1 : i32
          %scan3A_135 = arith.addi %scan3A_113, %scan3A_134 : i32
          %add3A_136 = arith.addi %mul3A_76, %scan3A_135 : i32
          %broadcast_in_dim3A_137 = vector.broadcast %add3A_136 : i32 to vector<16xi32>
          %add3A_138 = arith.addi %add3A_79, %scan3A_135 : i32
          %broadcast_in_dim3A_139 = vector.broadcast %add3A_138 : i32 to vector<16xi32>
          %gather3A_140 = tpu.vector_load_idx %arg10[%broadcast_in_dim3A_139] : memref<6400xf32, #tpu.memory_space<vmem>>[vector<16xi32>], vector<16xf32>,
          %gather3A_141 = tpu.vector_load_idx %arg9[%broadcast_in_dim3A_137, %add3A_8] : memref<800x64xf32, #tpu.memory_space<vmem>>[vector<16xi32>, vector<16xi32>], vector<16xf32>,
          %mul3A_142 = arith.mulf %gather3A_140, %gather3A_141 : vector<16xf32>
          %add3A_143 = arith.addf %add3A_124, %mul3A_142 : vector<16xf32>
          %gather3A_144 = tpu.vector_load_idx %arg9[%broadcast_in_dim3A_137, %add3A_12] : memref<800x64xf32, #tpu.memory_space<vmem>>[vector<16xi32>, vector<16xi32>], vector<16xf32>,
          %mul3A_145 = arith.mulf %gather3A_140, %gather3A_144 : vector<16xf32>
          %add3A_146 = arith.addf %add3A_127, %mul3A_145 : vector<16xf32>
          %gather3A_147 = tpu.vector_load_idx %arg9[%broadcast_in_dim3A_137, %add3A_16] : memref<800x64xf32, #tpu.memory_space<vmem>>[vector<16xi32>, vector<16xi32>], vector<16xf32>,
          %mul3A_148 = arith.mulf %gather3A_140, %gather3A_147 : vector<16xf32>
          %add3A_149 = arith.addf %add3A_130, %mul3A_148 : vector<16xf32>
          %gather3A_150 = tpu.vector_load_idx %arg9[%broadcast_in_dim3A_137, %add3A_20] : memref<800x64xf32, #tpu.memory_space<vmem>>[vector<16xi32>, vector<16xi32>], vector<16xf32>,
          %mul3A_151 = arith.mulf %gather3A_140, %gather3A_150 : vector<16xf32>
          %add3A_152 = arith.addf %add3A_133, %mul3A_151 : vector<16xf32>
          %scan3A_153 = arith.constant 2 : i32
          %scan3A_154 = arith.addi %scan3A_113, %scan3A_153 : i32
          %add3A_155 = arith.addi %mul3A_76, %scan3A_154 : i32
          %broadcast_in_dim3A_156 = vector.broadcast %add3A_155 : i32 to vector<16xi32>
          %add3A_157 = arith.addi %add3A_79, %scan3A_154 : i32
          %broadcast_in_dim3A_158 = vector.broadcast %add3A_157 : i32 to vector<16xi32>
          %gather3A_159 = tpu.vector_load_idx %arg10[%broadcast_in_dim3A_158] : memref<6400xf32, #tpu.memory_space<vmem>>[vector<16xi32>], vector<16xf32>,
          %gather3A_160 = tpu.vector_load_idx %arg9[%broadcast_in_dim3A_156, %add3A_8] : memref<800x64xf32, #tpu.memory_space<vmem>>[vector<16xi32>, vector<16xi32>], vector<16xf32>,
          %mul3A_161 = arith.mulf %gather3A_159, %gather3A_160 : vector<16xf32>
          %add3A_162 = arith.addf %add3A_143, %mul3A_161 : vector<16xf32>
          %gather3A_163 = tpu.vector_load_idx %arg9[%broadcast_in_dim3A_156, %add3A_12] : memref<800x64xf32, #tpu.memory_space<vmem>>[vector<16xi32>, vector<16xi32>], vector<16xf32>,
          %mul3A_164 = arith.mulf %gather3A_159, %gather3A_163 : vector<16xf32>
          %add3A_165 = arith.addf %add3A_146, %mul3A_164 : vector<16xf32>
          %gather3A_166 = tpu.vector_load_idx %arg9[%broadcast_in_dim3A_156, %add3A_16] : memref<800x64xf32, #tpu.memory_space<vmem>>[vector<16xi32>, vector<16xi32>], vector<16xf32>,
          %mul3A_167 = arith.mulf %gather3A_159, %gather3A_166 : vector<16xf32>
          %add3A_168 = arith.addf %add3A_149, %mul3A_167 : vector<16xf32>
          %gather3A_169 = tpu.vector_load_idx %arg9[%broadcast_in_dim3A_156, %add3A_20] : memref<800x64xf32, #tpu.memory_space<vmem>>[vector<16xi32>, vector<16xi32>], vector<16xf32>,
          %mul3A_170 = arith.mulf %gather3A_159, %gather3A_169 : vector<16xf32>
          %add3A_171 = arith.addf %add3A_152, %mul3A_170 : vector<16xf32>
          %scan3A_172 = arith.constant 3 : i32
          %scan3A_173 = arith.addi %scan3A_113, %scan3A_172 : i32
          %add3A_174 = arith.addi %mul3A_76, %scan3A_173 : i32
          %broadcast_in_dim3A_175 = vector.broadcast %add3A_174 : i32 to vector<16xi32>
          %add3A_176 = arith.addi %add3A_79, %scan3A_173 : i32
          %broadcast_in_dim3A_177 = vector.broadcast %add3A_176 : i32 to vector<16xi32>
          %gather3A_178 = tpu.vector_load_idx %arg10[%broadcast_in_dim3A_177] : memref<6400xf32, #tpu.memory_space<vmem>>[vector<16xi32>], vector<16xf32>,
          %gather3A_179 = tpu.vector_load_idx %arg9[%broadcast_in_dim3A_175, %add3A_8] : memref<800x64xf32, #tpu.memory_space<vmem>>[vector<16xi32>, vector<16xi32>], vector<16xf32>,
          %mul3A_180 = arith.mulf %gather3A_178, %gather3A_179 : vector<16xf32>
          %add3A_181 = arith.addf %add3A_162, %mul3A_180 : vector<16xf32>
          %gather3A_182 = tpu.vector_load_idx %arg9[%broadcast_in_dim3A_175, %add3A_12] : memref<800x64xf32, #tpu.memory_space<vmem>>[vector<16xi32>, vector<16xi32>], vector<16xf32>,
          %mul3A_183 = arith.mulf %gather3A_178, %gather3A_182 : vector<16xf32>
          %add3A_184 = arith.addf %add3A_165, %mul3A_183 : vector<16xf32>
          %gather3A_185 = tpu.vector_load_idx %arg9[%broadcast_in_dim3A_175, %add3A_16] : memref<800x64xf32, #tpu.memory_space<vmem>>[vector<16xi32>, vector<16xi32>], vector<16xf32>,
          %mul3A_186 = arith.mulf %gather3A_178, %gather3A_185 : vector<16xf32>
          %add3A_187 = arith.addf %add3A_168, %mul3A_186 : vector<16xf32>
          %gather3A_188 = tpu.vector_load_idx %arg9[%broadcast_in_dim3A_175, %add3A_20] : memref<800x64xf32, #tpu.memory_space<vmem>>[vector<16xi32>, vector<16xi32>], vector<16xf32>,
          %mul3A_189 = arith.mulf %gather3A_178, %gather3A_188 : vector<16xf32>
          %add3A_190 = arith.addf %add3A_171, %mul3A_189 : vector<16xf32>
          %scan3A_191 = arith.constant 4 : i32
          %scan3A_192 = arith.addi %scan3A_113, %scan3A_191 : i32
          %add3A_193 = arith.addi %mul3A_76, %scan3A_192 : i32
          %broadcast_in_dim3A_194 = vector.broadcast %add3A_193 : i32 to vector<16xi32>
          %add3A_195 = arith.addi %add3A_79, %scan3A_192 : i32
          %broadcast_in_dim3A_196 = vector.broadcast %add3A_195 : i32 to vector<16xi32>
          %gather3A_197 = tpu.vector_load_idx %arg10[%broadcast_in_dim3A_196] : memref<6400xf32, #tpu.memory_space<vmem>>[vector<16xi32>], vector<16xf32>,
          %gather3A_198 = tpu.vector_load_idx %arg9[%broadcast_in_dim3A_194, %add3A_8] : memref<800x64xf32, #tpu.memory_space<vmem>>[vector<16xi32>, vector<16xi32>], vector<16xf32>,
          %mul3A_199 = arith.mulf %gather3A_197, %gather3A_198 : vector<16xf32>
          %add3A_200 = arith.addf %add3A_181, %mul3A_199 : vector<16xf32>
          %gather3A_201 = tpu.vector_load_idx %arg9[%broadcast_in_dim3A_194, %add3A_12] : memref<800x64xf32, #tpu.memory_space<vmem>>[vector<16xi32>, vector<16xi32>], vector<16xf32>,
          %mul3A_202 = arith.mulf %gather3A_197, %gather3A_201 : vector<16xf32>
          %add3A_203 = arith.addf %add3A_184, %mul3A_202 : vector<16xf32>
          %gather3A_204 = tpu.vector_load_idx %arg9[%broadcast_in_dim3A_194, %add3A_16] : memref<800x64xf32, #tpu.memory_space<vmem>>[vector<16xi32>, vector<16xi32>], vector<16xf32>,
          %mul3A_205 = arith.mulf %gather3A_197, %gather3A_204 : vector<16xf32>
          %add3A_206 = arith.addf %add3A_187, %mul3A_205 : vector<16xf32>
          %gather3A_207 = tpu.vector_load_idx %arg9[%broadcast_in_dim3A_194, %add3A_20] : memref<800x64xf32, #tpu.memory_space<vmem>>[vector<16xi32>, vector<16xi32>], vector<16xf32>,
          %mul3A_208 = arith.mulf %gather3A_197, %gather3A_207 : vector<16xf32>
          %add3A_209 = arith.addf %add3A_190, %mul3A_208 : vector<16xf32>
          scf.yield %add3A_200, %add3A_203, %add3A_206, %add3A_209 : vector<16xf32>, vector<16xf32>, vector<16xf32>, vector<16xf32>
        }
        %scan3A_92 = arith.constant 50 : i32
        %mul3A_93 = arith.constant 16 : i32
        %mul3A_94 = arith.muli %add3A_61, %mul3A_93 : i32
        %add3A_95 = arith.addi %mul3A_94, %add3A_74 : i32
        %mul3A_96 = arith.constant 64 : i32
        %mul3A_97 = arith.muli %add3A_95, %mul3A_96 : i32
        %add3A_98 = arith.constant 0 : i32
        %add3A_99 = arith.addi %mul3A_97, %add3A_98 : i32
        %swap3A = arith.index_cast %add3A_99 : i32 to index
        %swap3A_100 = tpu.vector_load %arg11[%swap3A] {strides = array<i32>} : memref<8192xf32, #tpu.memory_space<vmem>>, vector<16xf32>,
        tpu.vector_store %arg11[%swap3A], %scan3A_91#0 {strides = array<i32>} : memref<8192xf32, #tpu.memory_space<vmem>>, vector<16xf32>,
        %add3A_101 = arith.constant 16 : i32
        %add3A_102 = arith.addi %mul3A_97, %add3A_101 : i32
        %swap3A_103 = arith.index_cast %add3A_102 : i32 to index
        %swap3A_104 = tpu.vector_load %arg11[%swap3A_103] {strides = array<i32>} : memref<8192xf32, #tpu.memory_space<vmem>>, vector<16xf32>,
        tpu.vector_store %arg11[%swap3A_103], %scan3A_91#1 {strides = array<i32>} : memref<8192xf32, #tpu.memory_space<vmem>>, vector<16xf32>,
        %add3A_105 = arith.constant 32 : i32
        %add3A_106 = arith.addi %mul3A_97, %add3A_105 : i32
        %swap3A_107 = arith.index_cast %add3A_106 : i32 to index
        %swap3A_108 = tpu.vector_load %arg11[%swap3A_107] {strides = array<i32>} : memref<8192xf32, #tpu.memory_space<vmem>>, vector<16xf32>,
        tpu.vector_store %arg11[%swap3A_107], %scan3A_91#2 {strides = array<i32>} : memref<8192xf32, #tpu.memory_space<vmem>>, vector<16xf32>,
        %add3A_109 = arith.constant 48 : i32
        %add3A_110 = arith.addi %mul3A_97, %add3A_109 : i32
        %swap3A_111 = arith.index_cast %add3A_110 : i32 to index
        %swap3A_112 = tpu.vector_load %arg11[%swap3A_111] {strides = array<i32>} : memref<8192xf32, #tpu.memory_space<vmem>>, vector<16xf32>,
        tpu.vector_store %arg11[%swap3A_111], %scan3A_91#3 {strides = array<i32>} : memref<8192xf32, #tpu.memory_space<vmem>>, vector<16xf32>,
      }
      %scan3A_69 = arith.constant 16 : i32
    }
    %scan3A_30 = arith.constant 4 : i32
    %mul3A_31 = arith.constant 64 : i32
    %mul3A_32 = arith.muli %mul3A_2, %mul3A_31 : i32
    "tpu.region"() ({
      %run_scoped3A = tpu.sem_alloc : memref<!tpu.dma_semaphore, #tpu.memory_space<semaphore_mem>>
      %dma_start3A_33 = tpu.memref_slice %arg5[%mul3A_32] : memref<262144xf32, #tpu.memory_space<hbm>> -> memref<8192xf32, #tpu.memory_space<hbm>>
      %dma_start3A_34 = tpu.memref_slice %arg5[%mul3A_32] : memref<262144xf32, #tpu.memory_space<hbm>> -> memref<8192xf32, #tpu.memory_space<hbm>>
      tpu.enqueue_dma source(%arg11 : memref<8192xf32, #tpu.memory_space<vmem>>) target(%dma_start3A_34 : memref<8192xf32, #tpu.memory_space<hbm>>) target_semaphore(%run_scoped3A : memref<!tpu.dma_semaphore, #tpu.memory_space<semaphore_mem>>)
      %dma_wait3A_35 = tpu.memref_slice %arg5[%mul3A_32] : memref<262144xf32, #tpu.memory_space<hbm>> -> memref<8192xf32, #tpu.memory_space<hbm>>
      %dma_wait3A_36 = tpu.memref_slice %arg5[%mul3A_32] : memref<262144xf32, #tpu.memory_space<hbm>> -> memref<8192xf32, #tpu.memory_space<hbm>>
      tpu.wait_dma2 semaphore(%run_scoped3A : memref<!tpu.dma_semaphore, #tpu.memory_space<semaphore_mem>>) src(%arg11 : memref<8192xf32, #tpu.memory_space<vmem>>) dst(%dma_wait3A_36 : memref<8192xf32, #tpu.memory_space<hbm>>)
      tpu.yield
    }) : () -> ()
    return
  }
}

#map = affine_map<(d0, d1) -> (0, 0)>
#map1 = affine_map<(d0, d1) -> (0)>
module attributes {stable_mosaic.version = 14 : i64} {
  func.func @uvcol_kernel(%arg0: i32, %arg1: i32, %arg2: memref<64x100000xf32, #tpu.memory_space<hbm>>, %arg3: memref<64x100000xf32, #tpu.memory_space<hbm>>, %arg4: memref<4096xi32, #tpu.memory_space<hbm>>, %arg5: memref<4096xi32, #tpu.memory_space<hbm>>, %arg6: memref<64x4096xf32, #tpu.memory_space<hbm>>, %arg7: memref<64x4096xf32, #tpu.memory_space<hbm>>, %arg8: memref<100000xf32, #tpu.memory_space<vmem>>, %arg9: memref<4096xi32, #tpu.memory_space<vmem>>, %arg10: memref<4096xi32, #tpu.memory_space<vmem>>, %arg11: memref<4096xf32, #tpu.memory_space<vmem>>) attributes {dimension_semantics = [#tpu.dimension_semantics<core_parallel>, #tpu.dimension_semantics<subcore_parallel>], iteration_bounds = array<i64: 2, 16>, scalar_prefetch = 0 : i64, scratch_operands = 4 : i64, tpu.core_type = #tpu.core_type<sc_vector_subcore>, window_params = [{transform_indices = #map}, {transform_indices = #map}, {transform_indices = #map1}, {transform_indices = #map1}, {transform_indices = #map}, {transform_indices = #map}]} {
    %mul3A = arith.constant 2 : i32
    %mul3A_0 = arith.muli %arg1, %mul3A : i32
    %add3A = arith.addi %mul3A_0, %arg0 : i32
    "tpu.region"() ({
      %run_scoped3A = tpu.sem_alloc : memref<!tpu.dma_semaphore, #tpu.memory_space<semaphore_mem>>
      tpu.enqueue_dma source(%arg4 : memref<4096xi32, #tpu.memory_space<hbm>>) target(%arg9 : memref<4096xi32, #tpu.memory_space<vmem>>) target_semaphore(%run_scoped3A : memref<!tpu.dma_semaphore, #tpu.memory_space<semaphore_mem>>)
      tpu.wait_dma2 semaphore(%run_scoped3A : memref<!tpu.dma_semaphore, #tpu.memory_space<semaphore_mem>>) src(%arg4 : memref<4096xi32, #tpu.memory_space<hbm>>) dst(%arg9 : memref<4096xi32, #tpu.memory_space<vmem>>)
      tpu.yield
    }) : () -> ()
    "tpu.region"() ({
      %run_scoped3A = tpu.sem_alloc : memref<!tpu.dma_semaphore, #tpu.memory_space<semaphore_mem>>
      tpu.enqueue_dma source(%arg5 : memref<4096xi32, #tpu.memory_space<hbm>>) target(%arg10 : memref<4096xi32, #tpu.memory_space<vmem>>) target_semaphore(%run_scoped3A : memref<!tpu.dma_semaphore, #tpu.memory_space<semaphore_mem>>)
      tpu.wait_dma2 semaphore(%run_scoped3A : memref<!tpu.dma_semaphore, #tpu.memory_space<semaphore_mem>>) src(%arg5 : memref<4096xi32, #tpu.memory_space<hbm>>) dst(%arg10 : memref<4096xi32, #tpu.memory_space<vmem>>)
      tpu.yield
    }) : () -> ()
    %scan3A = arith.constant 0 : i32
    %scan3A_1 = arith.constant 2 : i32
    %scan3A_2 = arith.addi %scan3A, %scan3A_1 : i32
    %scan3A_3 = arith.constant 1 : i32
    scf.for %scan3A_5 = %scan3A to %scan3A_2 step %scan3A_3  : i32 {
      %mul3A_6 = arith.constant 1 : i32
      %mul3A_7 = arith.muli %scan3A_5, %mul3A_6 : i32
      %add3A_8 = arith.constant 0 : i32
      %add3A_9 = arith.addi %add3A_8, %mul3A_7 : i32
      %mul3A_10 = arith.constant 2 : i32
      %mul3A_11 = arith.muli %add3A, %mul3A_10 : i32
      %add3A_12 = arith.addi %mul3A_11, %add3A_9 : i32
      "tpu.region"() ({
        %run_scoped3A = tpu.sem_alloc : memref<!tpu.dma_semaphore, #tpu.memory_space<semaphore_mem>>
        %dma_start3A = arith.constant 0 : i32
        %dma_start3A_23 = tpu.memref_slice %arg3[%add3A_12, %dma_start3A] : memref<64x100000xf32, #tpu.memory_space<hbm>> -> memref<1x100000xf32, #tpu.memory_space<hbm>>
        %dma_start3A_24 = tpu.memref_squeeze %dma_start3A_23 : memref<1x100000xf32, #tpu.memory_space<hbm>> -> memref<100000xf32, #tpu.memory_space<hbm>>
        %dma_start3A_25 = arith.constant 0 : i32
        %dma_start3A_26 = tpu.memref_slice %arg3[%add3A_12, %dma_start3A_25] : memref<64x100000xf32, #tpu.memory_space<hbm>> -> memref<1x100000xf32, #tpu.memory_space<hbm>>
        %dma_start3A_27 = tpu.memref_squeeze %dma_start3A_26 : memref<1x100000xf32, #tpu.memory_space<hbm>> -> memref<100000xf32, #tpu.memory_space<hbm>>
        tpu.enqueue_dma source(%dma_start3A_27 : memref<100000xf32, #tpu.memory_space<hbm>>) target(%arg8 : memref<100000xf32, #tpu.memory_space<vmem>>) target_semaphore(%run_scoped3A : memref<!tpu.dma_semaphore, #tpu.memory_space<semaphore_mem>>)
        %dma_wait3A = arith.constant 0 : i32
        %dma_wait3A_28 = tpu.memref_slice %arg3[%add3A_12, %dma_wait3A] : memref<64x100000xf32, #tpu.memory_space<hbm>> -> memref<1x100000xf32, #tpu.memory_space<hbm>>
        %dma_wait3A_29 = tpu.memref_squeeze %dma_wait3A_28 : memref<1x100000xf32, #tpu.memory_space<hbm>> -> memref<100000xf32, #tpu.memory_space<hbm>>
        %dma_wait3A_30 = arith.constant 0 : i32
        %dma_wait3A_31 = tpu.memref_slice %arg3[%add3A_12, %dma_wait3A_30] : memref<64x100000xf32, #tpu.memory_space<hbm>> -> memref<1x100000xf32, #tpu.memory_space<hbm>>
        %dma_wait3A_32 = tpu.memref_squeeze %dma_wait3A_31 : memref<1x100000xf32, #tpu.memory_space<hbm>> -> memref<100000xf32, #tpu.memory_space<hbm>>
        tpu.wait_dma2 semaphore(%run_scoped3A : memref<!tpu.dma_semaphore, #tpu.memory_space<semaphore_mem>>) src(%dma_wait3A_32 : memref<100000xf32, #tpu.memory_space<hbm>>) dst(%arg8 : memref<100000xf32, #tpu.memory_space<vmem>>)
        tpu.yield
      }) : () -> ()
      %scan3A_13 = arith.constant 0 : i32
      %scan3A_14 = arith.constant 256 : i32
      %scan3A_15 = arith.addi %scan3A_13, %scan3A_14 : i32
      %scan3A_16 = arith.constant 1 : i32
      scf.for %scan3A_23 = %scan3A_13 to %scan3A_15 step %scan3A_16  : i32 {
        %mul3A_24 = arith.constant 1 : i32
        %mul3A_25 = arith.muli %scan3A_23, %mul3A_24 : i32
        %add3A_26 = arith.constant 0 : i32
        %add3A_27 = arith.addi %add3A_26, %mul3A_25 : i32
        %mul3A_28 = arith.constant 16 : i32
        %mul3A_29 = arith.muli %add3A_27, %mul3A_28 : i32
        %get3A = arith.index_cast %mul3A_29 : i32 to index
        %get3A_30 = tpu.vector_load %arg10[%get3A] {strides = array<i32>} : memref<4096xi32, #tpu.memory_space<vmem>>, vector<16xi32>,
        %gather3A = tpu.vector_load_idx %arg8[%get3A_30] : memref<100000xf32, #tpu.memory_space<vmem>>[vector<16xi32>], vector<16xf32>,
        %mul3A_31 = arith.constant 16 : i32
        %mul3A_32 = arith.muli %add3A_27, %mul3A_31 : i32
        %swap3A = arith.index_cast %mul3A_32 : i32 to index
        %swap3A_33 = tpu.vector_load %arg11[%swap3A] {strides = array<i32>} : memref<4096xf32, #tpu.memory_space<vmem>>, vector<16xf32>,
        tpu.vector_store %arg11[%swap3A], %gather3A {strides = array<i32>} : memref<4096xf32, #tpu.memory_space<vmem>>, vector<16xf32>,
      }
      %scan3A_17 = arith.constant 256 : i32
      "tpu.region"() ({
        %run_scoped3A = tpu.sem_alloc : memref<!tpu.dma_semaphore, #tpu.memory_space<semaphore_mem>>
        %dma_start3A = arith.constant 0 : i32
        %dma_start3A_23 = tpu.memref_slice %arg7[%add3A_12, %dma_start3A] : memref<64x4096xf32, #tpu.memory_space<hbm>> -> memref<1x4096xf32, #tpu.memory_space<hbm>>
        %dma_start3A_24 = tpu.memref_squeeze %dma_start3A_23 : memref<1x4096xf32, #tpu.memory_space<hbm>> -> memref<4096xf32, #tpu.memory_space<hbm>>
        %dma_start3A_25 = arith.constant 0 : i32
        %dma_start3A_26 = tpu.memref_slice %arg7[%add3A_12, %dma_start3A_25] : memref<64x4096xf32, #tpu.memory_space<hbm>> -> memref<1x4096xf32, #tpu.memory_space<hbm>>
        %dma_start3A_27 = tpu.memref_squeeze %dma_start3A_26 : memref<1x4096xf32, #tpu.memory_space<hbm>> -> memref<4096xf32, #tpu.memory_space<hbm>>
        tpu.enqueue_dma source(%arg11 : memref<4096xf32, #tpu.memory_space<vmem>>) target(%dma_start3A_27 : memref<4096xf32, #tpu.memory_space<hbm>>) target_semaphore(%run_scoped3A : memref<!tpu.dma_semaphore, #tpu.memory_space<semaphore_mem>>)
        %dma_wait3A = arith.constant 0 : i32
        %dma_wait3A_28 = tpu.memref_slice %arg7[%add3A_12, %dma_wait3A] : memref<64x4096xf32, #tpu.memory_space<hbm>> -> memref<1x4096xf32, #tpu.memory_space<hbm>>
        %dma_wait3A_29 = tpu.memref_squeeze %dma_wait3A_28 : memref<1x4096xf32, #tpu.memory_space<hbm>> -> memref<4096xf32, #tpu.memory_space<hbm>>
        %dma_wait3A_30 = arith.constant 0 : i32
        %dma_wait3A_31 = tpu.memref_slice %arg7[%add3A_12, %dma_wait3A_30] : memref<64x4096xf32, #tpu.memory_space<hbm>> -> memref<1x4096xf32, #tpu.memory_space<hbm>>
        %dma_wait3A_32 = tpu.memref_squeeze %dma_wait3A_31 : memref<1x4096xf32, #tpu.memory_space<hbm>> -> memref<4096xf32, #tpu.memory_space<hbm>>
        tpu.wait_dma2 semaphore(%run_scoped3A : memref<!tpu.dma_semaphore, #tpu.memory_space<semaphore_mem>>) src(%arg11 : memref<4096xf32, #tpu.memory_space<vmem>>) dst(%dma_wait3A_32 : memref<4096xf32, #tpu.memory_space<hbm>>)
        tpu.yield
      }) : () -> ()
      "tpu.region"() ({
        %run_scoped3A = tpu.sem_alloc : memref<!tpu.dma_semaphore, #tpu.memory_space<semaphore_mem>>
        %dma_start3A = arith.constant 0 : i32
        %dma_start3A_23 = tpu.memref_slice %arg2[%add3A_12, %dma_start3A] : memref<64x100000xf32, #tpu.memory_space<hbm>> -> memref<1x100000xf32, #tpu.memory_space<hbm>>
        %dma_start3A_24 = tpu.memref_squeeze %dma_start3A_23 : memref<1x100000xf32, #tpu.memory_space<hbm>> -> memref<100000xf32, #tpu.memory_space<hbm>>
        %dma_start3A_25 = arith.constant 0 : i32
        %dma_start3A_26 = tpu.memref_slice %arg2[%add3A_12, %dma_start3A_25] : memref<64x100000xf32, #tpu.memory_space<hbm>> -> memref<1x100000xf32, #tpu.memory_space<hbm>>
        %dma_start3A_27 = tpu.memref_squeeze %dma_start3A_26 : memref<1x100000xf32, #tpu.memory_space<hbm>> -> memref<100000xf32, #tpu.memory_space<hbm>>
        tpu.enqueue_dma source(%dma_start3A_27 : memref<100000xf32, #tpu.memory_space<hbm>>) target(%arg8 : memref<100000xf32, #tpu.memory_space<vmem>>) target_semaphore(%run_scoped3A : memref<!tpu.dma_semaphore, #tpu.memory_space<semaphore_mem>>)
        %dma_wait3A = arith.constant 0 : i32
        %dma_wait3A_28 = tpu.memref_slice %arg2[%add3A_12, %dma_wait3A] : memref<64x100000xf32, #tpu.memory_space<hbm>> -> memref<1x100000xf32, #tpu.memory_space<hbm>>
        %dma_wait3A_29 = tpu.memref_squeeze %dma_wait3A_28 : memref<1x100000xf32, #tpu.memory_space<hbm>> -> memref<100000xf32, #tpu.memory_space<hbm>>
        %dma_wait3A_30 = arith.constant 0 : i32
        %dma_wait3A_31 = tpu.memref_slice %arg2[%add3A_12, %dma_wait3A_30] : memref<64x100000xf32, #tpu.memory_space<hbm>> -> memref<1x100000xf32, #tpu.memory_space<hbm>>
        %dma_wait3A_32 = tpu.memref_squeeze %dma_wait3A_31 : memref<1x100000xf32, #tpu.memory_space<hbm>> -> memref<100000xf32, #tpu.memory_space<hbm>>
        tpu.wait_dma2 semaphore(%run_scoped3A : memref<!tpu.dma_semaphore, #tpu.memory_space<semaphore_mem>>) src(%dma_wait3A_32 : memref<100000xf32, #tpu.memory_space<hbm>>) dst(%arg8 : memref<100000xf32, #tpu.memory_space<vmem>>)
        tpu.yield
      }) : () -> ()
      %scan3A_18 = arith.constant 0 : i32
      %scan3A_19 = arith.constant 256 : i32
      %scan3A_20 = arith.addi %scan3A_18, %scan3A_19 : i32
      %scan3A_21 = arith.constant 1 : i32
      scf.for %scan3A_23 = %scan3A_18 to %scan3A_20 step %scan3A_21  : i32 {
        %mul3A_24 = arith.constant 1 : i32
        %mul3A_25 = arith.muli %scan3A_23, %mul3A_24 : i32
        %add3A_26 = arith.constant 0 : i32
        %add3A_27 = arith.addi %add3A_26, %mul3A_25 : i32
        %mul3A_28 = arith.constant 16 : i32
        %mul3A_29 = arith.muli %add3A_27, %mul3A_28 : i32
        %get3A = arith.index_cast %mul3A_29 : i32 to index
        %get3A_30 = tpu.vector_load %arg9[%get3A] {strides = array<i32>} : memref<4096xi32, #tpu.memory_space<vmem>>, vector<16xi32>,
        %gather3A = tpu.vector_load_idx %arg8[%get3A_30] : memref<100000xf32, #tpu.memory_space<vmem>>[vector<16xi32>], vector<16xf32>,
        %mul3A_31 = arith.constant 16 : i32
        %mul3A_32 = arith.muli %add3A_27, %mul3A_31 : i32
        %swap3A = arith.index_cast %mul3A_32 : i32 to index
        %swap3A_33 = tpu.vector_load %arg11[%swap3A] {strides = array<i32>} : memref<4096xf32, #tpu.memory_space<vmem>>, vector<16xf32>,
        tpu.vector_store %arg11[%swap3A], %gather3A {strides = array<i32>} : memref<4096xf32, #tpu.memory_space<vmem>>, vector<16xf32>,
      }
      %scan3A_22 = arith.constant 256 : i32
      "tpu.region"() ({
        %run_scoped3A = tpu.sem_alloc : memref<!tpu.dma_semaphore, #tpu.memory_space<semaphore_mem>>
        %dma_start3A = arith.constant 0 : i32
        %dma_start3A_23 = tpu.memref_slice %arg6[%add3A_12, %dma_start3A] : memref<64x4096xf32, #tpu.memory_space<hbm>> -> memref<1x4096xf32, #tpu.memory_space<hbm>>
        %dma_start3A_24 = tpu.memref_squeeze %dma_start3A_23 : memref<1x4096xf32, #tpu.memory_space<hbm>> -> memref<4096xf32, #tpu.memory_space<hbm>>
        %dma_start3A_25 = arith.constant 0 : i32
        %dma_start3A_26 = tpu.memref_slice %arg6[%add3A_12, %dma_start3A_25] : memref<64x4096xf32, #tpu.memory_space<hbm>> -> memref<1x4096xf32, #tpu.memory_space<hbm>>
        %dma_start3A_27 = tpu.memref_squeeze %dma_start3A_26 : memref<1x4096xf32, #tpu.memory_space<hbm>> -> memref<4096xf32, #tpu.memory_space<hbm>>
        tpu.enqueue_dma source(%arg11 : memref<4096xf32, #tpu.memory_space<vmem>>) target(%dma_start3A_27 : memref<4096xf32, #tpu.memory_space<hbm>>) target_semaphore(%run_scoped3A : memref<!tpu.dma_semaphore, #tpu.memory_space<semaphore_mem>>)
        %dma_wait3A = arith.constant 0 : i32
        %dma_wait3A_28 = tpu.memref_slice %arg6[%add3A_12, %dma_wait3A] : memref<64x4096xf32, #tpu.memory_space<hbm>> -> memref<1x4096xf32, #tpu.memory_space<hbm>>
        %dma_wait3A_29 = tpu.memref_squeeze %dma_wait3A_28 : memref<1x4096xf32, #tpu.memory_space<hbm>> -> memref<4096xf32, #tpu.memory_space<hbm>>
        %dma_wait3A_30 = arith.constant 0 : i32
        %dma_wait3A_31 = tpu.memref_slice %arg6[%add3A_12, %dma_wait3A_30] : memref<64x4096xf32, #tpu.memory_space<hbm>> -> memref<1x4096xf32, #tpu.memory_space<hbm>>
        %dma_wait3A_32 = tpu.memref_squeeze %dma_wait3A_31 : memref<1x4096xf32, #tpu.memory_space<hbm>> -> memref<4096xf32, #tpu.memory_space<hbm>>
        tpu.wait_dma2 semaphore(%run_scoped3A : memref<!tpu.dma_semaphore, #tpu.memory_space<semaphore_mem>>) src(%arg11 : memref<4096xf32, #tpu.memory_space<vmem>>) dst(%dma_wait3A_32 : memref<4096xf32, #tpu.memory_space<hbm>>)
        tpu.yield
      }) : () -> ()
    }
    %scan3A_4 = arith.constant 2 : i32
    return
  }
}

module attributes {stable_mosaic.version = 14 : i64} {
  func.func @body(%arg0: i32, %arg1: memref<64x1024xf32, #tpu.memory_space<vmem>>, %arg2: memref<64x1024xf32, #tpu.memory_space<vmem>>, %arg3: memref<1024x64xf32, #tpu.memory_space<vmem>>, %arg4: memref<50x1024xf32, #tpu.memory_space<vmem>>, %arg5: memref<192x256xf32, #tpu.memory_space<vmem>>, %arg6: memref<256xf32, #tpu.memory_space<vmem>>, %arg7: memref<256x128xf32, #tpu.memory_space<vmem>>, %arg8: memref<128xf32, #tpu.memory_space<vmem>>, %arg9: memref<128x64xf32, #tpu.memory_space<vmem>>, %arg10: memref<64xf32, #tpu.memory_space<vmem>>, %arg11: memref<128x1xf32, #tpu.memory_space<vmem>>, %arg12: memref<1xf32, #tpu.memory_space<vmem>>, %arg13: memref<1024x1xf32, #tpu.memory_space<vmem>>) attributes {dimension_semantics = [#tpu.dimension_semantics<arbitrary>], iteration_bounds = array<i64: 4>, scalar_prefetch = 0 : i64, scratch_operands = 0 : i64, tpu.core_type = #tpu.core_type<tc>, window_params = [{transform_indices = @transform_0, window_bounds = array<i64: 64, 1024>}, {transform_indices = @transform_1, window_bounds = array<i64: 64, 1024>}, {transform_indices = @transform_2, window_bounds = array<i64: 1024, 64>}, {transform_indices = @transform_3, window_bounds = array<i64: 50, 1024>}, {pipeline_mode = #tpu.pipeline_mode<synchronous>, transform_indices = @transform_4, window_bounds = array<i64: 192, 256>}, {pipeline_mode = #tpu.pipeline_mode<synchronous>, transform_indices = @transform_5, window_bounds = array<i64: 256>}, {pipeline_mode = #tpu.pipeline_mode<synchronous>, transform_indices = @transform_6, window_bounds = array<i64: 256, 128>}, {pipeline_mode = #tpu.pipeline_mode<synchronous>, transform_indices = @transform_7, window_bounds = array<i64: 128>}, {pipeline_mode = #tpu.pipeline_mode<synchronous>, transform_indices = @transform_8, window_bounds = array<i64: 128, 64>}, {pipeline_mode = #tpu.pipeline_mode<synchronous>, transform_indices = @transform_9, window_bounds = array<i64: 64>}, {pipeline_mode = #tpu.pipeline_mode<synchronous>, transform_indices = @transform_10, window_bounds = array<i64: 128, 1>}, {pipeline_mode = #tpu.pipeline_mode<synchronous>, transform_indices = @transform_11, window_bounds = array<i64: 1>}, {transform_indices = @transform_12, window_bounds = array<i64: 1024, 1>}]} {
    %get3A = arith.constant 0 : index
    %get3A_0 = arith.constant 0 : index
    %get3A_1 = vector.load %arg4[%get3A, %get3A_0] : memref<50x1024xf32, #tpu.memory_space<vmem>>, vector<50x1024xf32>
    %reduce_sum3A = arith.constant dense<0.000000e+00> : vector<1024xf32>
    %reduce_sum3A_2 = vector.multi_reduction <add>, %get3A_1, %reduce_sum3A [0] : vector<50x1024xf32> to vector<1024xf32>
    %broadcast_in_dim3A = vector.shape_cast %reduce_sum3A_2 : vector<1024xf32> to vector<1024x1xf32>
    %add3A = arith.constant 9.99999993E-9 : f32
    %add3A_3 = vector.broadcast %add3A : f32 to vector<1024x1xf32>
    %add3A_4 = arith.addf %broadcast_in_dim3A, %add3A_3 : vector<1024x1xf32>
    %get3A_5 = arith.constant 0 : index
    %get3A_6 = arith.constant 0 : index
    %get3A_7 = vector.load %arg3[%get3A_5, %get3A_6] : memref<1024x64xf32, #tpu.memory_space<vmem>>, vector<1024x64xf32>
    %div3A = vector.broadcast %add3A_4 : vector<1024x1xf32> to vector<1024x64xf32>
    %div3A_8 = arith.divf %get3A_7, %div3A : vector<1024x64xf32>
    %get3A_9 = arith.constant 0 : index
    %get3A_10 = arith.constant 0 : index
    %get3A_11 = vector.load %arg1[%get3A_9, %get3A_10] : memref<64x1024xf32, #tpu.memory_space<vmem>>, vector<64x1024xf32>
    %transpose3A = tpu.transpose %get3A_11, [1, 0] : vector<64x1024xf32> -> vector<1024x64xf32>
    %get3A_12 = arith.constant 0 : index
    %get3A_13 = arith.constant 0 : index
    %get3A_14 = vector.load %arg2[%get3A_12, %get3A_13] : memref<64x1024xf32, #tpu.memory_space<vmem>>, vector<64x1024xf32>
    %transpose3A_15 = tpu.transpose %get3A_14, [1, 0] : vector<64x1024xf32> -> vector<1024x64xf32>
    %concatenate3A = tpu.concatenate %transpose3A, %transpose3A_15, %div3A_8 in 1 : vector<1024x64xf32>, vector<1024x64xf32>, vector<1024x64xf32> -> vector<1024x192xf32>
    %get3A_16 = arith.constant 0 : index
    %get3A_17 = arith.constant 0 : index
    %get3A_18 = vector.load %arg5[%get3A_16, %get3A_17] : memref<192x256xf32, #tpu.memory_space<vmem>>, vector<192x256xf32>
    %dot_general3A = arith.constant dense<0.000000e+00> : vector<1024x256xf32>
    %dot_general3A_19 = tpu.matmul %concatenate3A, %get3A_18, %dot_general3A {dimension_numbers = #tpu.dot_dimension_numbers<[1], [0], [0], [1], [0, 0, 1, 1], [], []>, transpose_lhs_hint = false} : vector<1024x192xf32>, vector<192x256xf32>, vector<1024x256xf32> -> vector<1024x256xf32>
    %get3A_20 = arith.constant 0 : index
    %get3A_21 = vector.load %arg6[%get3A_20] : memref<256xf32, #tpu.memory_space<vmem>>, vector<256xf32>
    %broadcast_in_dim3A_22 = vector.shape_cast %get3A_21 : vector<256xf32> to vector<1x256xf32>
    %add3A_23 = vector.broadcast %broadcast_in_dim3A_22 : vector<1x256xf32> to vector<1024x256xf32>
    %add3A_24 = arith.addf %dot_general3A_19, %add3A_23 : vector<1024x256xf32>
    %max3A = arith.constant 0.000000e+00 : f32
    %max3A_25 = vector.broadcast %max3A : f32 to vector<1024x256xf32>
    %max3A_26 = arith.maximumf %add3A_24, %max3A_25 : vector<1024x256xf32>
    %get3A_27 = arith.constant 0 : index
    %get3A_28 = arith.constant 0 : index
    %get3A_29 = vector.load %arg7[%get3A_27, %get3A_28] : memref<256x128xf32, #tpu.memory_space<vmem>>, vector<256x128xf32>
    %dot_general3A_30 = arith.constant dense<0.000000e+00> : vector<1024x128xf32>
    %dot_general3A_31 = tpu.matmul %max3A_26, %get3A_29, %dot_general3A_30 {dimension_numbers = #tpu.dot_dimension_numbers<[1], [0], [0], [1], [0, 0, 1, 1], [], []>, transpose_lhs_hint = false} : vector<1024x256xf32>, vector<256x128xf32>, vector<1024x128xf32> -> vector<1024x128xf32>
    %get3A_32 = arith.constant 0 : index
    %get3A_33 = vector.load %arg8[%get3A_32] : memref<128xf32, #tpu.memory_space<vmem>>, vector<128xf32>
    %broadcast_in_dim3A_34 = vector.shape_cast %get3A_33 : vector<128xf32> to vector<1x128xf32>
    %add3A_35 = vector.broadcast %broadcast_in_dim3A_34 : vector<1x128xf32> to vector<1024x128xf32>
    %add3A_36 = arith.addf %dot_general3A_31, %add3A_35 : vector<1024x128xf32>
    %max3A_37 = arith.constant 0.000000e+00 : f32
    %max3A_38 = vector.broadcast %max3A_37 : f32 to vector<1024x128xf32>
    %max3A_39 = arith.maximumf %add3A_36, %max3A_38 : vector<1024x128xf32>
    %get3A_40 = arith.constant 0 : index
    %get3A_41 = arith.constant 0 : index
    %get3A_42 = vector.load %arg9[%get3A_40, %get3A_41] : memref<128x64xf32, #tpu.memory_space<vmem>>, vector<128x64xf32>
    %dot_general3A_43 = arith.constant dense<0.000000e+00> : vector<1024x64xf32>
    %dot_general3A_44 = tpu.matmul %max3A_39, %get3A_42, %dot_general3A_43 {dimension_numbers = #tpu.dot_dimension_numbers<[1], [0], [0], [1], [0, 0, 1, 1], [], []>, transpose_lhs_hint = false} : vector<1024x128xf32>, vector<128x64xf32>, vector<1024x64xf32> -> vector<1024x64xf32>
    %get3A_45 = arith.constant 0 : index
    %get3A_46 = vector.load %arg10[%get3A_45] : memref<64xf32, #tpu.memory_space<vmem>>, vector<64xf32>
    %broadcast_in_dim3A_47 = vector.shape_cast %get3A_46 : vector<64xf32> to vector<1x64xf32>
    %add3A_48 = vector.broadcast %broadcast_in_dim3A_47 : vector<1x64xf32> to vector<1024x64xf32>
    %add3A_49 = arith.addf %dot_general3A_44, %add3A_48 : vector<1024x64xf32>
    %max3A_50 = arith.constant 0.000000e+00 : f32
    %max3A_51 = vector.broadcast %max3A_50 : f32 to vector<1024x64xf32>
    %max3A_52 = arith.maximumf %add3A_49, %max3A_51 : vector<1024x64xf32>
    %mul3A = arith.mulf %transpose3A, %transpose3A_15 : vector<1024x64xf32>
    %concatenate3A_53 = tpu.concatenate %mul3A, %max3A_52 in 1 : vector<1024x64xf32>, vector<1024x64xf32> -> vector<1024x128xf32>
    %get3A_54 = arith.constant 0 : index
    %get3A_55 = arith.constant 0 : index
    %get3A_56 = vector.load %arg11[%get3A_54, %get3A_55] : memref<128x1xf32, #tpu.memory_space<vmem>>, vector<128x1xf32>
    %dot_general3A_57 = arith.constant dense<0.000000e+00> : vector<1024x1xf32>
    %dot_general3A_58 = tpu.matmul %concatenate3A_53, %get3A_56, %dot_general3A_57 {dimension_numbers = #tpu.dot_dimension_numbers<[1], [0], [0], [1], [0, 0, 1, 1], [], []>, transpose_lhs_hint = false} : vector<1024x128xf32>, vector<128x1xf32>, vector<1024x1xf32> -> vector<1024x1xf32>
    %get3A_59 = arith.constant 0 : index
    %get3A_60 = vector.load %arg12[%get3A_59] : memref<1xf32, #tpu.memory_space<vmem>>, vector<1xf32>
    %broadcast_in_dim3A_61 = vector.shape_cast %get3A_60 : vector<1xf32> to vector<1x1xf32>
    %add3A_62 = vector.broadcast %broadcast_in_dim3A_61 : vector<1x1xf32> to vector<1024x1xf32>
    %add3A_63 = arith.addf %dot_general3A_58, %add3A_62 : vector<1024x1xf32>
    %swap3A = arith.constant 0 : index
    %swap3A_64 = arith.constant 0 : index
    %swap3A_65 = vector.load %arg13[%swap3A, %swap3A_64] : memref<1024x1xf32, #tpu.memory_space<vmem>>, vector<1024x1xf32>
    tpu.vector_store %arg13[%swap3A, %swap3A_64], %add3A_63 {strides = array<i32>} : memref<1024x1xf32, #tpu.memory_space<vmem>>, vector<1024x1xf32>,
    return
  }
  func.func @transform_0(%arg0: i32) -> (i32, i32) {
    %c0_i32 = arith.constant 0 : i32
    %c0_i32_0 = arith.constant 0 : i32
    return %c0_i32, %arg0 : i32, i32
  }
  func.func @transform_1(%arg0: i32) -> (i32, i32) {
    %c0_i32 = arith.constant 0 : i32
    %c0_i32_0 = arith.constant 0 : i32
    return %c0_i32, %arg0 : i32, i32
  }
  func.func @transform_2(%arg0: i32) -> (i32, i32) {
    %c0_i32 = arith.constant 0 : i32
    %c0_i32_0 = arith.constant 0 : i32
    return %arg0, %c0_i32 : i32, i32
  }
  func.func @transform_3(%arg0: i32) -> (i32, i32) {
    %c0_i32 = arith.constant 0 : i32
    %c0_i32_0 = arith.constant 0 : i32
    return %c0_i32, %arg0 : i32, i32
  }
  func.func @transform_4(%arg0: i32) -> (i32, i32) {
    %c0_i32 = arith.constant 0 : i32
    %c0_i32_0 = arith.constant 0 : i32
    %c0_i32_1 = arith.constant 0 : i32
    return %c0_i32, %c0_i32_0 : i32, i32
  }
  func.func @transform_5(%arg0: i32) -> i32 {
    %c0_i32 = arith.constant 0 : i32
    %c0_i32_0 = arith.constant 0 : i32
    return %c0_i32 : i32
  }
  func.func @transform_6(%arg0: i32) -> (i32, i32) {
    %c0_i32 = arith.constant 0 : i32
    %c0_i32_0 = arith.constant 0 : i32
    %c0_i32_1 = arith.constant 0 : i32
    return %c0_i32, %c0_i32_0 : i32, i32
  }
  func.func @transform_7(%arg0: i32) -> i32 {
    %c0_i32 = arith.constant 0 : i32
    %c0_i32_0 = arith.constant 0 : i32
    return %c0_i32 : i32
  }
  func.func @transform_8(%arg0: i32) -> (i32, i32) {
    %c0_i32 = arith.constant 0 : i32
    %c0_i32_0 = arith.constant 0 : i32
    %c0_i32_1 = arith.constant 0 : i32
    return %c0_i32, %c0_i32_0 : i32, i32
  }
  func.func @transform_9(%arg0: i32) -> i32 {
    %c0_i32 = arith.constant 0 : i32
    %c0_i32_0 = arith.constant 0 : i32
    return %c0_i32 : i32
  }
  func.func @transform_10(%arg0: i32) -> (i32, i32) {
    %c0_i32 = arith.constant 0 : i32
    %c0_i32_0 = arith.constant 0 : i32
    %c0_i32_1 = arith.constant 0 : i32
    return %c0_i32, %c0_i32_0 : i32, i32
  }
  func.func @transform_11(%arg0: i32) -> i32 {
    %c0_i32 = arith.constant 0 : i32
    %c0_i32_0 = arith.constant 0 : i32
    return %c0_i32 : i32
  }
  func.func @transform_12(%arg0: i32) -> (i32, i32) {
    %c0_i32 = arith.constant 0 : i32
    %c0_i32_0 = arith.constant 0 : i32
    return %arg0, %c0_i32 : i32, i32
  }
}

</mosaic_0001>

<sc_bundles>
// kernel: kernel.5.cloned.1.call-start
scs
__scs_entry_jumppad:
0x0: {  	(pc) =	sbr.rel $0x88, $3  }
0x1: {  	(tag) =	ssettag $0x0;
	lr =	simm.s32 $0x1  }
0x2: {  	[smem:$0x3F93] =	sst lr;
	_ =	strace $0xD0000000  }
0x3: {  	_ = 	snop  }
0x4: {  	_ = 	snop  }
0x5: {  	_ = 	snop  }
0x6: {  	_ = 	snop  }
0x7: {  	_ = 	snop  }
__scs_overlays_trampoline_lowered:
0x8: {  	[smem:$0x3FA2] =	sst s0  }
0x9: {  	[smem:$0x3FA3] =	sst s1  }
0xa: {  	[smem:$0x3FA4] =	sst s2  }
0xb: {  	[smem:$0x3FA5] =	sst s3  }
0xc: {  	[smem:$0x3FA6] =	sst s4  }
0xd: {  	[smem:$0x3FA7] =	sst s5  }
0xe: {  	[smem:$0x3FA8] =	sst s6  }
0xf: {  	[smem:$0x3FA9] =	sst s7  }
0x10: {  	[smem:$0x3FAA] =	sst s8  }
0x11: {  	[smem:$0x3FAB] =	sst s9;
	s0 =	simm.s32 @!p0 $0x0  }
0x12: {  	s1 =	sld [smem:$0x3F91];
	s0 =	simm.s32 @p0 $0x1  }
0x13: {  	[smem:$0x3FAC] =	sst s0;
	s0 =	simm.s32 @!p1 $0x0  }
0x14: {  	s2 =	sld [smem:$0x3F90];
	s0 =	simm.s32 @p1 $0x1  }
0x15: {  	[smem:$0x3FAD] =	sst s0;
	s0 =	simm.s32 @!p2 $0x0  }
0x16: {  	s3 =	sld [smem:$0x3FDB];
	s0 =	simm.s32 @p2 $0x1  }
0x17: {  	s4 =	simm.s32 $0x1BF5;
	[smem:$0x3FAF] =	sst s0  }
0x18: {  	s0 =	sld [smem:$0x3F92];
	_ =	swait.ge [sflag:s4], $0x0  }
0x19: {  	s7 =	sld [smem:$0x3F93]  }
0x1a: {  	s8 =	sadd.s32 $0xFFFFE003, lr  }
0x1b: {  	s9 =	sadd.s32 $0xFFFFFEF7, lr;
	s5 =	simm.s32 $0xFFFFFFFF;
	p2 =	slt.u32 s8, $0xFFFFF086  }
0x1c: {  	p1 =	slt.u32 s9, $0xF7A;
	s5 =	simm.s32 @!p2 $0x0  }
0x1d: {  	s5 =	simm.s32 @p1 $0x1;
	p0 =	seq.s32 s7, s2  }
0x1e: {  	s7 =	smul.u32 @!p0 $0xF7A, s2;
	p2 =	seq.s32 @!p0 s5, $0x0  }
0x1f: {  	s9 =	smul.u32 $0xF7A, s1;
	s8 =	simm.s32 @!p0 $0x1BF5;
	p2 =	por !p2, p0  }
0x20: {  	[sflag:s8] =	ssyncset.s32 @!p0 $0xFFFFF086;
	s6 =	sadd.s32 @!p0 s3, s7;
	s7 =	simm.s32 @!p0 $0x108  }
0x21: {  	s3 =	sadd.s32 s3, s9;
	s6 =	sadd.s32 @!p0 $0x88, s6;
	s7 =	simm.s32 @p2 $0x1082  }
0x22: {  	[simem:s7], [sflag:s8] =	dma.local @!p0 [hbm:s6], $0xF7A  }
0x23: {  	s9 =	sor.u32 $0xD0000000, s2;
	s6 =	simm.s32 $0x108;
	_ =	swait.ge @!p0 [sflag:s8], $0x0  }
0x24: {  	s3 =	sadd.s32 $0x88, s3;
	s6 =	simm.s32 @!p1 $0x1082;
	[sflag:s4] =	ssyncset.s32 $0xFFFFF086  }
0x25: {  	[simem:s6], [sflag:s4] =	dma.local [hbm:s3], $0xF7A  }
0x26: {  	[smem:$0x3F93] =	sst s1;
	(tag) =	ssettag s2;
	_ =	strace s9  }
0x27: {  	s1 =	sld [smem:$0x3FA3]  }
0x28: {  	s2 =	sld [smem:$0x3FA4]  }
0x29: {  	s4 =	sld [smem:$0x3FA6]  }
0x2a: {  	p0 =	seq.s32 s5, $0x0;
	s5 =	sld [smem:$0x3FA7]  }
0x2b: {  	s6 =	sld [smem:$0x3FA8]  }
0x2c: {  	s7 =	sld [smem:$0x3FA9]  }
0x2d: {  	s3 =	simm.s32 $0x108;
	s8 =	sld [smem:$0x3FAA]  }
0x2e: {  	s3 =	simm.s32 @!p0 $0x1082;
	s9 =	sld [smem:$0x3FAB]  }
0x2f: {  	lr =	sadd.s32 s0, s3;
	s0 =	sld [smem:$0x3FA2]  }
0x30: {  	s3 =	sld [smem:$0x3FA5]  }
0x31: {  	[smem:$0x3FAE] =	sst s10  }
0x32: {  	s10 =	sld [smem:$0x3FAC];
	_ =	sdelay $0x3  }
0x33: {  	p0 =	seq.s32 s10, $0x1;
	s10 =	sld [smem:$0x3FAE];
	_ =	sdelay $0x3  }
0x34: {  	[smem:$0x3FAE] =	sst s10  }
0x35: {  	s10 =	sld [smem:$0x3FAD];
	_ =	sdelay $0x3  }
0x36: {  	p1 =	seq.s32 s10, $0x1;
	s10 =	sld [smem:$0x3FAE];
	_ =	sdelay $0x3  }
0x37: {  	[smem:$0x3FAE] =	sst s10  }
0x38: {  	s10 =	sld [smem:$0x3FAF]  }
0x39: {  	_ = 	snop;
	(pc) =	sbr.ind lr, $3  }
0x3a: {  	_ = 	snop  }
0x3b: {  	_ = 	snop  }
0x3c: {  	p2 =	seq.s32 s10, $0x1;
	s10 =	sld [smem:$0x3FAE]  }
0x3d: {  	_ =	shalt  }
0x3e: {  	_ =	shalt  }
0x3f: {  	_ =	shalt  }
0x40: {  	_ =	shalt  }
0x41: {  	_ =	shalt  }
0x42: {  	_ =	shalt  }
0x43: {  	_ =	shalt  }
0x44: {  	_ =	shalt  }
0x45: {  	_ =	shalt  }
0x46: {  	_ =	shalt  }
0x47: {  	_ =	shalt  }
0x48: {  	_ =	shalt  }
0x49: {  	_ =	shalt  }
0x4a: {  	_ =	shalt  }
0x4b: {  	_ =	shalt  }
0x4c: {  	_ =	shalt  }
0x4d: {  	_ =	shalt  }
0x4e: {  	_ =	shalt  }
0x4f: {  	_ =	shalt  }
0x50: {  	_ =	shalt  }
0x51: {  	_ =	shalt  }
0x52: {  	_ =	shalt  }
0x53: {  	_ =	shalt  }
0x54: {  	_ =	shalt  }
0x55: {  	_ =	shalt  }
0x56: {  	_ =	shalt  }
0x57: {  	_ =	shalt  }
0x58: {  	_ =	shalt  }
0x59: {  	_ =	shalt  }
0x5a: {  	_ =	shalt  }
0x5b: {  	_ =	shalt  }
0x5c: {  	_ =	shalt  }
0x5d: {  	_ =	shalt  }
0x5e: {  	_ =	shalt  }
0x5f: {  	_ =	shalt  }
0x60: {  	_ =	shalt  }
0x61: {  	_ =	shalt  }
0x62: {  	_ =	shalt  }
0x63: {  	_ =	shalt  }
0x64: {  	_ =	shalt  }
0x65: {  	_ =	shalt  }
0x66: {  	_ =	shalt  }
0x67: {  	_ =	shalt  }
0x68: {  	_ =	shalt  }
0x69: {  	_ =	shalt  }
0x6a: {  	_ =	shalt  }
0x6b: {  	_ =	shalt  }
0x6c: {  	_ =	shalt  }
0x6d: {  	_ =	shalt  }
0x6e: {  	_ =	shalt  }
0x6f: {  	_ =	shalt  }
0x70: {  	_ =	shalt  }
0x71: {  	_ =	shalt  }
0x72: {  	_ =	shalt  }
0x73: {  	_ =	shalt  }
0x74: {  	_ =	shalt  }
0x75: {  	_ =	shalt  }
0x76: {  	_ =	shalt  }
0x77: {  	_ =	shalt  }
0x78: {  	_ =	shalt  }
0x79: {  	_ =	shalt  }
0x7a: {  	_ =	shalt  }
0x7b: {  	_ =	shalt  }
0x7c: {  	_ =	shalt  }
0x7d: {  	_ =	shalt  }
0x7e: {  	_ =	shalt  }
0x7f: {  	_ =	shalt  }
0x80: {  	_ =	shalt  }
0x81: {  	_ =	shalt  }
0x82: {  	_ =	shalt  }
0x83: {  	_ =	shalt  }
0x84: {  	_ =	shalt  }
0x85: {  	_ =	shalt  }
0x86: {  	_ =	shalt  }
0x87: {  	_ =	shalt  }
.Lfunc_end0:
.L_simem_size_0:
called_computation_lowered:
.L_overlay_start_0:
0x88: {  	s2 =	sld [smem:$0x3FD9]  }
0x89: {  	s3 =	sld [smem:$0x3FFE];
	_ =	sdelay $0x1  }
0x8a: {  	s1 =	srdreg.scid  }
0x8b: {  	s0 =	sand.u32 $0x1, s1  }
0x8c: {  	s17 =	sshll.u32 s0, $0xA;
	s2 =	sadd.s32 s3, s2  }
0x8d: {  	s2 =	sadd.s32 s2, s17  }
0x8e: {  	[smem:$0x3FBA] =	sst s2  }
0x8f: {  	_ = 	snop  }
0x90: {  	s2 =	sld [smem:$0x3FC9]  }
0x91: {  	s18 =	sld [smem:$0x3FC8]  }
0x92: {  	s4 =	sld [smem:$0x3FC5]  }
0x93: {  	s5 =	sld [smem:$0x3FC4];
	(tm) =	ssettm $0x1  }
0x94: {  	s6 =	sld [smem:$0x3FFB];
	_ =	sdelay $0x3  }
0x95: {  	_ =	strace s6  }
0x96: {  	s6 =	sld [smem:$0x3FFC];
	_ =	sdelay $0x3  }
0x97: {  	_ =	strace s6  }
0x98: {  	s6 =	sld [smem:$0x3FFD];
	_ =	sdelay $0x3  }
0x99: {  	_ =	strace s6  }
0x9a: {  	_ =	strace $0x8FFFFFFF  }
0x9b: {  	s19 =	sld [smem:$0x3FDB];
	_ =	sdelay $0x1  }
0x9c: {  	s7 =	simm.s32 $_scs_section_size  }
0x9d: {  	s8 =	simm.s32 $_size__tile_overlayer_lowered;
	s9 =	simm.s32 $_tile_overlayer_lowered  }
0x9e: {  	s22 =	simm.s32 $0x1BFF;
	s21 =	sshll.u32 s9, $0x1;
	s6 =	sadd.s32 s7, s19  }
0x9f: {  	s10 =	simm.s32 $0x0;
	s20 =	sshll.u32 s8, $0x1;
	s8 =	sadd.s32 s21, s6  }
0xa0: {  	[timem:s10], [sflag:s22] =	dma.local [hbm:s8], s20  }
0xa1: {  	_ =	swait.ge [sflag:s22], s20  }
0xa2: {  	s7 =	ssub.s32 $0x0, s20;
	[sflag:s22] =	ssyncset.done $0x0  }
0xa3: {  	[sflag:s22] =	ssyncadd.s32 s7;
	_ =	sdelay $0x1  }
0xa4: {  	s23 =	simm.s32 $0x1B8B  }
0xa5: {  	_ =	swait.ge [sflag:s23], $0x1  }
0xa6: {  	[sflag:s23] =	ssyncset.done $0x0  }
0xa7: {  	s25 =	simm.s32 $0x1B8E;
	s24 =	sld [smem:$0x3FFE];
	[sflag:s23] =	ssyncadd.s32 $0xFFFFFFFF  }
0xa8: {  	s26 =	simm.s32 $execute0_lowered;
	[smem:$0x3FD2] =	sst s25  }
0xa9: {  	s8 =	sshll.u32 s26, $0x1;
	_ =	strace $0x80000046;
	[dreg:$0x1] =	wrdreg $0xFFFFFFFF  }
0xaa: {  	s28 =	simm.s32 $_size_execute0_lowered;
	s6 =	sadd.s32 s6, s8;
	[dreg:$0x0] =	wrdreg $0x0  }
0xab: {  	s8 =	sshll.u32 s28, $0x1;
	[dreg:$0x2] =	wrdreg s6  }
0xac: {  	[dreg:$0x3] =	wrdreg s8  }
0xad: {  	[dreg:$0x4] =	wrdreg $0xC0  }
0xae: {  	_ =	task [dreg:s10], $0x5FFFF  }
0xaf: {  	[dreg:$0x1] =	wrdreg $0xFFFFFFFF  }
0xb0: {  	[dreg:$0x0] =	wrdreg $0x60  }
0xb1: {  	[dreg:$0x2] =	wrdreg s4  }
0xb2: {  	[dreg:$0x3] =	wrdreg s5  }
0xb3: {  	[dreg:$0x4] =	wrdreg s2  }
0xb4: {  	[dreg:$0x5] =	wrdreg s18  }
0xb5: {  	[dreg:$0x6] =	wrdreg s24  }
0xb6: {  	[dreg:$0x7] =	wrdreg $0x9  }
0xb7: {  	_ =	task.clear_ibuf [dreg:s10], $0x8FFFF;
	_ =	strace $0x90000046  }
0xb8: {  	s29 =	simm.s32 $0x9;
	_ =	strace $0x80000048  }
0xb9: {  	_ =	swait.ge [sflag:s29], $0x1  }
0xba: {  	[sflag:s29] =	ssyncadd.s32 $0xFFFFFFFF  }
0xbb: {  	_ =	strace $0x90000048  }
0xbc: {  	_ =	sfence  }
0xbd: {  	s30 =	sld [smem:$0x0];
	_ =	sdelay $0x2  }
0xbe: {  	s31 =	sshll.u32 s1, $0xD;
	s1 =	sshrl.u32 s1, $0x2  }
0xbf: {  	s3 =	sand.u32 $0x4000, s31;
	s1 =	sadd.s32 s1, s30  }
0xc0: {  	s0 =	sor.u32 s3, s0;
	s1 =	sshll.u32 s1, $0x11  }
0xc1: {  	s0 =	sor.u32 s1, s0  }
0xc2: {  	s0 =	sadd.s32 $0x8F2B, s0  }
0xc3: {  	[sflag:s0] =	ssyncadd.remote.s32 $0x1  }
0xc4: {  	_ =	sfence.sel $0xFFFF  }
0xc5: {  	[dreg:$0x0] =	wrdreg $0xFFFFFFFF;
	(pc) =	sbr.abs _section_cstart, $3  }
0xc6: {  	[dreg:$0x1] =	wrdreg $0xFFFFFFFF  }
0xc7: {  	_ =	task.clear_ibuf [dreg:s10], $0x2FFFF;
	_ =	strace $0x9FFFFFFF  }
0xc8: {  	(tm) =	ssettm $0x7FFFFFFF  }
0xc9: {  	_ =	shalt  }
tec
execute0_lowered:
.L_overlay_start_1:
0x0: {  	(tag) =	ssettag $0x1  }
0x1: {  	s13 =	rddreg [dreg:$0x0]  }
0x2: {  	s11 =	rddreg [dreg:$0x1]  }
0x3: {  	s2 =	rddreg [dreg:$0x2]  }
0x4: {  	s3 =	rddreg [dreg:$0x3]  }
0x5: {  	s5 =	rddreg [dreg:$0x4]  }
0x6: {  	s4 =	srdreg.scid;
	s1 =	stileid.u32  }
0x7: {  	s0 =	rddreg [dreg:$0x5];
	s19 =	simm.s32 $0x1A700;
	s20 =	simm.s32 $0x0  }
0x8: {  	s6 =	sand.u32 $0x1, s4;
	s7 =	sshll.u32 s1, $0x9;
	s4 =	simm.s32 $0x0  }
0x9: {  	s9 =	sshrl.u32 s1, $0x1;
	s12 =	sadd.s32 $0x2400, s5;
	s16 =	sadd.s32 $0xA400, s5  }
0xa: {  	s8 =	sshll.u32 s6, $0x8;
	s7 =	sand.u32 $0x200, s7;
	[smem:$0x7FF] =	sst s4  }
0xb: {  	s30 =	sshll.u32 s9, $0xF;
	s6 =	ssub.s32 $0x2, s6;
	s9 =	smul.u32 $0xC3800, s9  }
0xc: {  	s7 =	sor.u32 s8, s7;
	_ =	strace $0x80000047;
	s15 =	sshrl.u32 s6, $0x1  }
0xd: {  	s10 =	sor.u32 $0x80, s7;
	s6 =	ssub.s32 s6, s15;
	s31 =	sor.u32 s9, s7  }
0xe: {  	s7 =	sor.u32 s30, s7;
	s14 =	sor.u32 s30, s10;
	s6 =	smax.u32 s6, $0x1  }
0xf: {  	s15 =	sshrl.u32 s31, $0x3;
	s17 =	sshrl.u32 s7, $0x3;
	s9 =	sor.u32 s9, s10  }
0x10: {  	s14 =	sshrl.u32 s14, $0x3;
	s7 =	sadd.s32 s11, s15;
	s8 =	sadd.s32 s16, s17  }
0x11: {  	s18 =	sshrl.u32 s9, $0x3;
	s9 =	sadd.s32 s13, s15;
	s10 =	sadd.s32 s12, s17  }
0x12: {  	s15 =	simm.s32 $0x1;
	s17 =	simm.s32 $0x80;
	s5 =	sadd.s32 s12, s14  }
0x13: {  	s11 =	sadd.s32 s11, s18;
	s12 =	sadd.s32 s16, s14;
	s13 =	sadd.s32 s13, s18  }
0x14: {  	s14 =	simm.s32 $0x18700;
	s16 =	simm.s32 $0x19700;
	s18 =	simm.s32 $0x400  }
.LBB2_1:
0x15: {  	[tilespmem:s14], [sflag:$0x1] =	stream.linear.gather [hbm4b:s2+s4], $0x1000, $0x38;
	[tilespmem:$0x1B700] =	vst v63  }
0x16: {  	_ =	swait.ge [sflag:s15], $0x1000  }
0x17: {  	[sflag:s15] =	ssyncset.done $0x0  }
0x18: {  	[sflag:s15] =	ssyncadd.s32 $0xFFFFF000  }
0x19: {  	[tilespmem:s16], [sflag:$0x1] =	stream.linear.gather [hbm4b:s3+s4], $0x1000, $0x38;
	[tilespmem:$0x1B700] =	vst v63  }
0x1a: {  	_ =	swait.ge [sflag:s15], $0x1000  }
0x1b: {  	[sflag:s15] =	ssyncset.done $0x0  }
0x1c: {  	[sflag:s15] =	ssyncadd.s32 $0xFFFFF000  }
0x1d: {  	[tilespmem:s4], [sflag:$0x1] =	stream.strided.gather [hbm4b:s7+s17], $0x18700, s18, s17, $0x38;
	[tilespmem:$0x1B700] =	vst v63  }
0x1e: {  	_ =	swait.ge [sflag:s15], $0x18700  }
0x1f: {  	[sflag:s15] =	ssyncset.done $0x0  }
0x20: {  	s21 =	simm.s32 $0x0;
	[sflag:s15] =	ssyncadd.s32 $0xFFFE7900  }
0x21: {  	v0 =	vld [tilespmem:s21+$0x19700];
	_ =	sdelay $0x7  }
0x22: {  	s22 =	simm.s32 $0x10;
	s23 =	simm.s32 $0x80;
	v0 =	vld.idx.msk [tilespmem:v0+s4+$0x0], $0xffff  }
.LBB2_2:
0x23: {  	p0 =	sne.s32 s23, $0x3FC0;
	v1 =	vld [tilespmem:s22+$0x19700];
	_ =	sdelay $0x3  }
.Ltmp0:
0x24: {  	(pc) =	sbr.rel @p0 .LBB2_2-.Ltmp0, $2  }
0x25: {  	[tilespmem:s21+$0x1A700] =	vst v0;
	s21 =	smov.u32 s22;
	_ =	sdelay $0x2  }
0x26: {  	s22 =	sshra.s32 s23, $0x2;
	s23 =	sadd.s32 $0x40, s23;
	v0 =	vld.idx.msk [tilespmem:v1+s4+$0x0], $0xffff  }
0x27: {  	v1 =	vld [tilespmem:s22+$0x19700];
	_ =	sdelay $0x6  }
0x28: {  	[tilespmem:s21+$0x1A700] =	vst v0  }
0x29: {  	v0 =	vld.idx.msk [tilespmem:v1+s4+$0x0], $0xffff;
	_ =	sdelay $0x4  }
0x2a: {  	[tilespmem:s22+$0x1A700] =	vst v0  }
0x2b: {  	[hbm4b:s8+s17] =	stream.strided.scatter [tilespmem:s19], [sflag:$0x1], $0x1000, s18, s17, $0x38;
	[tilespmem:$0x1B700] =	vst v63  }
0x2c: {  	_ =	swait.ge [sflag:s15], $0x1000  }
0x2d: {  	[sflag:s15] =	ssyncset.done $0x0  }
0x2e: {  	s31 =	simm.s32 $0x0;
	[sflag:s15] =	ssyncadd.s32 $0xFFFFF000  }
0x2f: {  	[tilespmem:s31], [sflag:$0x1] =	stream.strided.gather [hbm4b:s9+s17], $0x18700, s18, s17, $0x38;
	[tilespmem:$0x1B700] =	vst v63  }
0x30: {  	_ =	swait.ge [sflag:s15], $0x18700  }
0x31: {  	[sflag:s15] =	ssyncset.done $0x0  }
0x32: {  	s21 =	simm.s32 $0x0;
	[sflag:s15] =	ssyncadd.s32 $0xFFFE7900  }
0x33: {  	v0 =	vld [tilespmem:s21+$0x18700];
	_ =	sdelay $0x7  }
0x34: {  	s23 =	simm.s32 $0x80;
	s22 =	simm.s32 $0x10;
	v0 =	vld.idx.msk [tilespmem:v0+s4+$0x0], $0xffff  }
.LBB2_4:
0x35: {  	p0 =	sne.s32 s23, $0x3FC0;
	v1 =	vld [tilespmem:s22+$0x18700];
	_ =	sdelay $0x3  }
.Ltmp1:
0x36: {  	(pc) =	sbr.rel @p0 .LBB2_4-.Ltmp1, $2  }
0x37: {  	[tilespmem:s21+$0x1A700] =	vst v0;
	s21 =	smov.u32 s22;
	_ =	sdelay $0x2  }
0x38: {  	s22 =	sshra.s32 s23, $0x2;
	s23 =	sadd.s32 $0x40, s23;
	v0 =	vld.idx.msk [tilespmem:v1+s4+$0x0], $0xffff  }
0x39: {  	v1 =	vld [tilespmem:s22+$0x18700];
	_ =	sdelay $0x6  }
0x3a: {  	[tilespmem:s21+$0x1A700] =	vst v0  }
0x3b: {  	v0 =	vld.idx.msk [tilespmem:v1+s4+$0x0], $0xffff;
	_ =	sdelay $0x4  }
0x3c: {  	[tilespmem:s22+$0x1A700] =	vst v0  }
0x3d: {  	[hbm4b:s10+s17] =	stream.strided.scatter [tilespmem:s19], [sflag:$0x1], $0x1000, s18, s17, $0x38;
	[tilespmem:$0x1B700] =	vst v63  }
0x3e: {  	_ =	swait.ge [sflag:s15], $0x1000  }
0x3f: {  	[sflag:s15] =	ssyncset.done $0x0  }
0x40: {  	s31 =	simm.s32 $0x0;
	[sflag:s15] =	ssyncadd.s32 $0xFFFFF000  }
0x41: {  	[tilespmem:s31], [sflag:$0x1] =	stream.strided.gather [hbm4b:s11+s17], $0x18700, s18, s17, $0x38;
	[tilespmem:$0x1B700] =	vst v63  }
0x42: {  	_ =	swait.ge [sflag:s15], $0x18700  }
0x43: {  	[sflag:s15] =	ssyncset.done $0x0  }
0x44: {  	s21 =	simm.s32 $0x0;
	[sflag:s15] =	ssyncadd.s32 $0xFFFE7900  }
0x45: {  	v0 =	vld [tilespmem:s21+$0x19700];
	_ =	sdelay $0x7  }
0x46: {  	s23 =	simm.s32 $0x80;
	s22 =	simm.s32 $0x10;
	v0 =	vld.idx.msk [tilespmem:v0+s4+$0x0], $0xffff  }
.LBB2_6:
0x47: {  	p0 =	sne.s32 s23, $0x3FC0;
	v1 =	vld [tilespmem:s22+$0x19700];
	_ =	sdelay $0x3  }
.Ltmp2:
0x48: {  	(pc) =	sbr.rel @p0 .LBB2_6-.Ltmp2, $2  }
0x49: {  	[tilespmem:s21+$0x1A700] =	vst v0;
	s21 =	smov.u32 s22;
	_ =	sdelay $0x2  }
0x4a: {  	s22 =	sshra.s32 s23, $0x2;
	s23 =	sadd.s32 $0x40, s23;
	v0 =	vld.idx.msk [tilespmem:v1+s4+$0x0], $0xffff  }
0x4b: {  	v1 =	vld [tilespmem:s22+$0x19700];
	_ =	sdelay $0x6  }
0x4c: {  	[tilespmem:s21+$0x1A700] =	vst v0  }
0x4d: {  	v0 =	vld.idx.msk [tilespmem:v1+s4+$0x0], $0xffff;
	_ =	sdelay $0x4  }
0x4e: {  	[tilespmem:s22+$0x1A700] =	vst v0  }
0x4f: {  	[hbm4b:s12+s17] =	stream.strided.scatter [tilespmem:s19], [sflag:$0x1], $0x1000, s18, s17, $0x38;
	[tilespmem:$0x1B700] =	vst v63  }
0x50: {  	_ =	swait.ge [sflag:s15], $0x1000  }
0x51: {  	[sflag:s15] =	ssyncset.done $0x0  }
0x52: {  	s31 =	simm.s32 $0x0;
	[sflag:s15] =	ssyncadd.s32 $0xFFFFF000  }
0x53: {  	[tilespmem:s31], [sflag:$0x1] =	stream.strided.gather [hbm4b:s13+s17], $0x18700, s18, s17, $0x38;
	[tilespmem:$0x1B700] =	vst v63  }
0x54: {  	_ =	swait.ge [sflag:s15], $0x18700  }
0x55: {  	[sflag:s15] =	ssyncset.done $0x0  }
0x56: {  	s21 =	simm.s32 $0x0;
	[sflag:s15] =	ssyncadd.s32 $0xFFFE7900  }
0x57: {  	v0 =	vld [tilespmem:s21+$0x18700];
	_ =	sdelay $0x7  }
0x58: {  	s23 =	simm.s32 $0x80;
	s22 =	simm.s32 $0x10;
	v0 =	vld.idx.msk [tilespmem:v0+s4+$0x0], $0xffff  }
.LBB2_8:
0x59: {  	p0 =	sne.s32 s23, $0x3FC0;
	v1 =	vld [tilespmem:s22+$0x18700];
	_ =	sdelay $0x3  }
.Ltmp3:
0x5a: {  	(pc) =	sbr.rel @p0 .LBB2_8-.Ltmp3, $2  }
0x5b: {  	[tilespmem:s21+$0x1A700] =	vst v0;
	s21 =	smov.u32 s22;
	_ =	sdelay $0x2  }
0x5c: {  	s22 =	sshra.s32 s23, $0x2;
	s23 =	sadd.s32 $0x40, s23;
	v0 =	vld.idx.msk [tilespmem:v1+s4+$0x0], $0xffff  }
0x5d: {  	v1 =	vld [tilespmem:s22+$0x18700];
	_ =	sdelay $0x6  }
0x5e: {  	[tilespmem:s21+$0x1A700] =	vst v0  }
0x5f: {  	v0 =	vld.idx.msk [tilespmem:v1+s4+$0x0], $0xffff;
	_ =	sdelay $0x2  }
0x60: {  	s20 =	sadd.s32 $0x1, s20  }
0x61: {  	p0 =	sne.s32 s20, s6  }
.Ltmp4:
0x62: {  	[tilespmem:s22+$0x1A700] =	vst v0;
	(pc) =	sbr.rel @p0 .LBB2_1-.Ltmp4, $4  }
0x63: {  	[hbm4b:s5+s17] =	stream.strided.scatter [tilespmem:s19], [sflag:$0x1], $0x1000, s18, s17, $0x38;
	[tilespmem:$0x1B700] =	vst v63  }
0x64: {  	_ =	swait.ge [sflag:s15], $0x1000  }
0x65: {  	[sflag:s15] =	ssyncset.done $0x0  }
0x66: {  	[sflag:s15] =	ssyncadd.s32 $0xFFFFF000  }
0x67: {  	_ =	sfence.sel $0x180000  }
0x68: {  	[bflag:$0x0] =	sbarrier.arrive $0xFFFF  }
0x69: {  	p0 =	sne.s32 s1, $0x0;
	_ =	strace $0x90000047  }
0x6a: {  	s0 =	sadd.s32 @!p0 $0x100000, s0;
	[bflag:$0x2] =	sbarrier.arrive $0xFFFF  }
0x6b: {  	[sflag:s0] =	ssyncadd.tile.s32 @!p0 $0x1;
	_ =	shalt  }
.Lfunc_end2:
_tile_overlayer_lowered:
.L_overlay_start_2:
0x6c: {  	(tag) =	ssettag $0x2  }
0x6d: {  	s0 =	rddreg [dreg:$0x0];
	s2 =	stileid.u32  }
0x6e: {  	s1 =	rddreg [dreg:$0x1];
	p0 =	sne.s32 s2, $0x0  }
0x6f: {  	s3 =	rddreg [dreg:$0x2];
	[bflag:$0x3] =	sbarrier.arrive $0xFFFF;
	s2 =	simm.s32 @!p0 $0x1C01  }
0x70: {  	[timem:s3], [sflag:s2] =	dma.local @!p0 [hbm:s0], s1  }
0x71: {  	s0 =	simm.s32 @!p0 $0x1  }
0x72: {  	_ =	swait.ge @!p0 [sflag:s0], s1  }
0x73: {  	s1 =	ssub.s32 @!p0 $0x0, s1;
	[sflag:s0] =	ssyncset.done @!p0 $0x0  }
0x74: {  	[sflag:s0] =	ssyncadd.s32 @!p0 s1  }
0x75: {  	[bflag:$0x3] =	sbarrier.arrive $0xFFFF  }
0x76: {  	_ =	shalt  }

// kernel: kernel.8.cloned.1.call-start
scs
__scs_entry_jumppad:
0x0: {  	(pc) =	sbr.rel $0x88, $3  }
0x1: {  	(tag) =	ssettag $0x0;
	lr =	simm.s32 $0x1  }
0x2: {  	[smem:$0x3F93] =	sst lr;
	_ =	strace $0xD0000000  }
0x3: {  	_ = 	snop  }
0x4: {  	_ = 	snop  }
0x5: {  	_ = 	snop  }
0x6: {  	_ = 	snop  }
0x7: {  	_ = 	snop  }
__scs_overlays_trampoline_lowered:
0x8: {  	[smem:$0x3FA2] =	sst s0  }
0x9: {  	[smem:$0x3FA3] =	sst s1  }
0xa: {  	[smem:$0x3FA4] =	sst s2  }
0xb: {  	[smem:$0x3FA5] =	sst s3  }
0xc: {  	[smem:$0x3FA6] =	sst s4  }
0xd: {  	[smem:$0x3FA7] =	sst s5  }
0xe: {  	[smem:$0x3FA8] =	sst s6  }
0xf: {  	[smem:$0x3FA9] =	sst s7  }
0x10: {  	[smem:$0x3FAA] =	sst s8  }
0x11: {  	[smem:$0x3FAB] =	sst s9;
	s0 =	simm.s32 @!p0 $0x0  }
0x12: {  	s1 =	sld [smem:$0x3F91];
	s0 =	simm.s32 @p0 $0x1  }
0x13: {  	[smem:$0x3FAC] =	sst s0;
	s0 =	simm.s32 @!p1 $0x0  }
0x14: {  	s2 =	sld [smem:$0x3F90];
	s0 =	simm.s32 @p1 $0x1  }
0x15: {  	[smem:$0x3FAD] =	sst s0;
	s0 =	simm.s32 @!p2 $0x0  }
0x16: {  	s3 =	sld [smem:$0x3FDB];
	s0 =	simm.s32 @p2 $0x1  }
0x17: {  	s4 =	simm.s32 $0x1BF5;
	[smem:$0x3FAF] =	sst s0  }
0x18: {  	s0 =	sld [smem:$0x3F92];
	_ =	swait.ge [sflag:s4], $0x0  }
0x19: {  	s7 =	sld [smem:$0x3F93]  }
0x1a: {  	s8 =	sadd.s32 $0xFFFFE003, lr  }
0x1b: {  	s9 =	sadd.s32 $0xFFFFFEF7, lr;
	s5 =	simm.s32 $0xFFFFFFFF;
	p2 =	slt.u32 s8, $0xFFFFF086  }
0x1c: {  	p1 =	slt.u32 s9, $0xF7A;
	s5 =	simm.s32 @!p2 $0x0  }
0x1d: {  	s5 =	simm.s32 @p1 $0x1;
	p0 =	seq.s32 s7, s2  }
0x1e: {  	s7 =	smul.u32 @!p0 $0xF7A, s2;
	p2 =	seq.s32 @!p0 s5, $0x0  }
0x1f: {  	s9 =	smul.u32 $0xF7A, s1;
	s8 =	simm.s32 @!p0 $0x1BF5;
	p2 =	por !p2, p0  }
0x20: {  	[sflag:s8] =	ssyncset.s32 @!p0 $0xFFFFF086;
	s6 =	sadd.s32 @!p0 s3, s7;
	s7 =	simm.s32 @!p0 $0x108  }
0x21: {  	s3 =	sadd.s32 s3, s9;
	s6 =	sadd.s32 @!p0 $0x88, s6;
	s7 =	simm.s32 @p2 $0x1082  }
0x22: {  	[simem:s7], [sflag:s8] =	dma.local @!p0 [hbm:s6], $0xF7A  }
0x23: {  	s9 =	sor.u32 $0xD0000000, s2;
	s6 =	simm.s32 $0x108;
	_ =	swait.ge @!p0 [sflag:s8], $0x0  }
0x24: {  	s3 =	sadd.s32 $0x88, s3;
	s6 =	simm.s32 @!p1 $0x1082;
	[sflag:s4] =	ssyncset.s32 $0xFFFFF086  }
0x25: {  	[simem:s6], [sflag:s4] =	dma.local [hbm:s3], $0xF7A  }
0x26: {  	[smem:$0x3F93] =	sst s1;
	(tag) =	ssettag s2;
	_ =	strace s9  }
0x27: {  	s1 =	sld [smem:$0x3FA3]  }
0x28: {  	s2 =	sld [smem:$0x3FA4]  }
0x29: {  	s4 =	sld [smem:$0x3FA6]  }
0x2a: {  	p0 =	seq.s32 s5, $0x0;
	s5 =	sld [smem:$0x3FA7]  }
0x2b: {  	s6 =	sld [smem:$0x3FA8]  }
0x2c: {  	s7 =	sld [smem:$0x3FA9]  }
0x2d: {  	s3 =	simm.s32 $0x108;
	s8 =	sld [smem:$0x3FAA]  }
0x2e: {  	s3 =	simm.s32 @!p0 $0x1082;
	s9 =	sld [smem:$0x3FAB]  }
0x2f: {  	lr =	sadd.s32 s0, s3;
	s0 =	sld [smem:$0x3FA2]  }
0x30: {  	s3 =	sld [smem:$0x3FA5]  }
0x31: {  	[smem:$0x3FAE] =	sst s10  }
0x32: {  	s10 =	sld [smem:$0x3FAC];
	_ =	sdelay $0x3  }
0x33: {  	p0 =	seq.s32 s10, $0x1;
	s10 =	sld [smem:$0x3FAE];
	_ =	sdelay $0x3  }
0x34: {  	[smem:$0x3FAE] =	sst s10  }
0x35: {  	s10 =	sld [smem:$0x3FAD];
	_ =	sdelay $0x3  }
0x36: {  	p1 =	seq.s32 s10, $0x1;
	s10 =	sld [smem:$0x3FAE];
	_ =	sdelay $0x3  }
0x37: {  	[smem:$0x3FAE] =	sst s10  }
0x38: {  	s10 =	sld [smem:$0x3FAF]  }
0x39: {  	_ = 	snop;
	(pc) =	sbr.ind lr, $3  }
0x3a: {  	_ = 	snop  }
0x3b: {  	_ = 	snop  }
0x3c: {  	p2 =	seq.s32 s10, $0x1;
	s10 =	sld [smem:$0x3FAE]  }
0x3d: {  	_ =	shalt  }
0x3e: {  	_ =	shalt  }
0x3f: {  	_ =	shalt  }
0x40: {  	_ =	shalt  }
0x41: {  	_ =	shalt  }
0x42: {  	_ =	shalt  }
0x43: {  	_ =	shalt  }
0x44: {  	_ =	shalt  }
0x45: {  	_ =	shalt  }
0x46: {  	_ =	shalt  }
0x47: {  	_ =	shalt  }
0x48: {  	_ =	shalt  }
0x49: {  	_ =	shalt  }
0x4a: {  	_ =	shalt  }
0x4b: {  	_ =	shalt  }
0x4c: {  	_ =	shalt  }
0x4d: {  	_ =	shalt  }
0x4e: {  	_ =	shalt  }
0x4f: {  	_ =	shalt  }
0x50: {  	_ =	shalt  }
0x51: {  	_ =	shalt  }
0x52: {  	_ =	shalt  }
0x53: {  	_ =	shalt  }
0x54: {  	_ =	shalt  }
0x55: {  	_ =	shalt  }
0x56: {  	_ =	shalt  }
0x57: {  	_ =	shalt  }
0x58: {  	_ =	shalt  }
0x59: {  	_ =	shalt  }
0x5a: {  	_ =	shalt  }
0x5b: {  	_ =	shalt  }
0x5c: {  	_ =	shalt  }
0x5d: {  	_ =	shalt  }
0x5e: {  	_ =	shalt  }
0x5f: {  	_ =	shalt  }
0x60: {  	_ =	shalt  }
0x61: {  	_ =	shalt  }
0x62: {  	_ =	shalt  }
0x63: {  	_ =	shalt  }
0x64: {  	_ =	shalt  }
0x65: {  	_ =	shalt  }
0x66: {  	_ =	shalt  }
0x67: {  	_ =	shalt  }
0x68: {  	_ =	shalt  }
0x69: {  	_ =	shalt  }
0x6a: {  	_ =	shalt  }
0x6b: {  	_ =	shalt  }
0x6c: {  	_ =	shalt  }
0x6d: {  	_ =	shalt  }
0x6e: {  	_ =	shalt  }
0x6f: {  	_ =	shalt  }
0x70: {  	_ =	shalt  }
0x71: {  	_ =	shalt  }
0x72: {  	_ =	shalt  }
0x73: {  	_ =	shalt  }
0x74: {  	_ =	shalt  }
0x75: {  	_ =	shalt  }
0x76: {  	_ =	shalt  }
0x77: {  	_ =	shalt  }
0x78: {  	_ =	shalt  }
0x79: {  	_ =	shalt  }
0x7a: {  	_ =	shalt  }
0x7b: {  	_ =	shalt  }
0x7c: {  	_ =	shalt  }
0x7d: {  	_ =	shalt  }
0x7e: {  	_ =	shalt  }
0x7f: {  	_ =	shalt  }
0x80: {  	_ =	shalt  }
0x81: {  	_ =	shalt  }
0x82: {  	_ =	shalt  }
0x83: {  	_ =	shalt  }
0x84: {  	_ =	shalt  }
0x85: {  	_ =	shalt  }
0x86: {  	_ =	shalt  }
0x87: {  	_ =	shalt  }
.Lfunc_end0:
.L_simem_size_0:
called_computation.1_lowered:
.L_overlay_start_0:
0x88: {  	s2 =	sld [smem:$0x3FD9]  }
0x89: {  	s3 =	sld [smem:$0x3FFE];
	_ =	sdelay $0x1  }
0x8a: {  	s1 =	srdreg.scid  }
0x8b: {  	s0 =	sand.u32 $0x1, s1  }
0x8c: {  	s16 =	sshll.u32 s0, $0xA;
	s2 =	sadd.s32 s3, s2  }
0x8d: {  	s2 =	sadd.s32 s2, s16  }
0x8e: {  	[smem:$0x3FBA] =	sst s2  }
0x8f: {  	_ = 	snop  }
0x90: {  	(tm) =	ssettm $0x1  }
0x91: {  	s17 =	sld [smem:$0x3FFB];
	_ =	sdelay $0x3  }
0x92: {  	_ =	strace s17  }
0x93: {  	s2 =	sld [smem:$0x3FFC];
	_ =	sdelay $0x3  }
0x94: {  	_ =	strace s2  }
0x95: {  	s2 =	sld [smem:$0x3FFD];
	_ =	sdelay $0x3  }
0x96: {  	_ =	strace s2  }
0x97: {  	_ =	strace $0x8FFFFFFF  }
0x98: {  	s18 =	sld [smem:$0x3FDB];
	_ =	sdelay $0x1  }
0x99: {  	s19 =	simm.s32 $_scs_section_size  }
0x9a: {  	s4 =	simm.s32 $_size__tile_overlayer_lowered;
	s5 =	simm.s32 $_tile_overlayer_lowered  }
0x9b: {  	s22 =	simm.s32 $0x1BFF;
	s21 =	sshll.u32 s5, $0x1;
	s2 =	sadd.s32 s19, s18  }
0x9c: {  	s6 =	simm.s32 $0x0;
	s20 =	sshll.u32 s4, $0x1;
	s4 =	sadd.s32 s21, s2  }
0x9d: {  	[timem:s6], [sflag:s22] =	dma.local [hbm:s4], s20  }
0x9e: {  	_ =	swait.ge [sflag:s22], s20  }
0x9f: {  	s3 =	ssub.s32 $0x0, s20;
	[sflag:s22] =	ssyncset.done $0x0  }
0xa0: {  	[sflag:s22] =	ssyncadd.s32 s3;
	_ =	sdelay $0x1  }
0xa1: {  	s23 =	simm.s32 $0x1B8B  }
0xa2: {  	_ =	swait.ge [sflag:s23], $0x1  }
0xa3: {  	[sflag:s23] =	ssyncset.done $0x0  }
0xa4: {  	s25 =	simm.s32 $0x1B8E;
	s24 =	sld [smem:$0x3FFE];
	[sflag:s23] =	ssyncadd.s32 $0xFFFFFFFF  }
0xa5: {  	s26 =	simm.s32 $execute0_lowered;
	[smem:$0x3FD2] =	sst s25  }
0xa6: {  	s4 =	sshll.u32 s26, $0x1;
	_ =	strace $0x80000049;
	[dreg:$0x1] =	wrdreg $0xFFFFFFFF  }
0xa7: {  	s28 =	simm.s32 $_size_execute0_lowered;
	s2 =	sadd.s32 s2, s4;
	[dreg:$0x0] =	wrdreg $0x0  }
0xa8: {  	s4 =	sshll.u32 s28, $0x1;
	[dreg:$0x2] =	wrdreg s2  }
0xa9: {  	[dreg:$0x3] =	wrdreg s4  }
0xaa: {  	[dreg:$0x4] =	wrdreg $0xC0  }
0xab: {  	_ =	task [dreg:s6], $0x5FFFF  }
0xac: {  	[dreg:$0x1] =	wrdreg $0xFFFFFFFF  }
0xad: {  	[dreg:$0x0] =	wrdreg $0x60  }
0xae: {  	[dreg:$0x2] =	wrdreg s24  }
0xaf: {  	[dreg:$0x3] =	wrdreg $0x9  }
0xb0: {  	_ =	task.clear_ibuf [dreg:s6], $0x4FFFF;
	_ =	strace $0x90000049  }
0xb1: {  	s29 =	simm.s32 $0x9;
	_ =	strace $0x8000004B  }
0xb2: {  	_ =	swait.ge [sflag:s29], $0x1  }
0xb3: {  	[sflag:s29] =	ssyncadd.s32 $0xFFFFFFFF  }
0xb4: {  	_ =	strace $0x9000004B  }
0xb5: {  	_ =	sfence  }
0xb6: {  	s30 =	sld [smem:$0x0];
	_ =	sdelay $0x2  }
0xb7: {  	s31 =	sshll.u32 s1, $0xD;
	s1 =	sshrl.u32 s1, $0x2  }
0xb8: {  	s3 =	sand.u32 $0x4000, s31;
	s1 =	sadd.s32 s1, s30  }
0xb9: {  	s0 =	sor.u32 s3, s0;
	s1 =	sshll.u32 s1, $0x11  }
0xba: {  	s0 =	sor.u32 s1, s0  }
0xbb: {  	s0 =	sadd.s32 $0x8F2B, s0  }
0xbc: {  	[sflag:s0] =	ssyncadd.remote.s32 $0x1  }
0xbd: {  	_ =	sfence.sel $0xFFFF  }
0xbe: {  	[dreg:$0x0] =	wrdreg $0xFFFFFFFF;
	(pc) =	sbr.abs _section_cstart, $3  }
0xbf: {  	[dreg:$0x1] =	wrdreg $0xFFFFFFFF  }
0xc0: {  	_ =	task.clear_ibuf [dreg:s6], $0x2FFFF;
	_ =	strace $0x9FFFFFFF  }
0xc1: {  	(tm) =	ssettm $0x7FFFFFFF  }
tec
execute0_lowered:
.L_overlay_start_1:
0x0: {  	(tag) =	ssettag $0x1  }
0x1: {  	s0 =	rddreg [dreg:$0x0]  }
0x2: {  	s1 =	srdreg.scid;
	s3 =	stileid.u32  }
0x3: {  	s2 =	simm.s32 $0x0;
	s11 =	simm.s32 $0x19640;
	s12 =	simm.s32 $0x3  }
0x4: {  	s13 =	simm.s32 $0x320;
	s14 =	simm.s32 $0x640;
	s15 =	simm.s32 $0x2  }
0x5: {  	s16 =	simm.s32 $0xCE40;
	s1 =	sand.u32 $0x1, s1;
	s3 =	sshll.u32 s3, $0x1  }
0x6: {  	[smem:$0x7FF] =	sst s2;
	s6 =	sor.u32 s1, s3;
	s1 =	ssub.s32 $0x2, s1  }
0x7: {  	s4 =	sadd.s32 $0x19F200, s0;
	s3 =	smul.u32 $0x1900, s6;
	s28 =	sshrl.u32 s1, $0x1  }
0x8: {  	s5 =	sadd.s32 $0x198E00, s0;
	_ =	strace $0x8000004A;
	s1 =	ssub.s32 s1, s28  }
0x9: {  	s6 =	sshll.u32 s6, $0xA;
	s7 =	sshrl.u32 s3, $0x3;
	s31 =	smax.u32 s1, $0x1  }
0xa: {  	s8 =	sadd.s32 s7, s0;
	s30 =	sadd.s32 s5, s7;
	[dreg:$0x5] =	wrdreg s31  }
0xb: {  	s0 =	sadd.s32 s6, s0;
	s29 =	sadd.s32 $0x12400, s8;
	[dreg:$0x3] =	wrdreg s30  }
0xc: {  	v0 =	vlaneseq.u32;
	s17 =	simm.s32 $0x1;
	s0 =	sadd.s32 $0x18800, s0;
	[dreg:$0x2] =	wrdreg s29  }
0xd: {  	s19 =	simm.s32 $0x0;
	v1 =	vor.u32 $0x10, v0;
	v2 =	vor.u32 $0x20, v0;
	v3 =	vor.u32 $0x30, v0;
	s8 =	sadd.s32 $0x640, s3;
	[dreg:$0x4] =	wrdreg s0  }
.LBB2_1:
0xe: {  	s0 =	rddreg [dreg:$0x2]  }
0xf: {  	[tilespmem:s11], [sflag:$0x2] =	stream.linear.gather [hbm4b:s0+s2], $0x1900, $0x38;
	[tilespmem:$0x1CF40] =	vst v63  }
0x10: {  	s31 =	rddreg [dreg:$0x3]  }
0x11: {  	[tilespmem:s2], [sflag:$0x3] =	stream.linear.gather [hbm4b:s31+s2], $0x320, $0x38;
	[tilespmem:$0x1CF40] =	vst v63  }
0x12: {  	_ =	swait.ge [sflag:s12], $0x320  }
0x13: {  	[sflag:s12] =	ssyncset.done $0x0  }
0x14: {  	[sflag:s12] =	ssyncadd.s32 $0xFFFFFCE0  }
0x15: {  	[tilespmem:s14], [sflag:$0x1] =	stream.indirect.gather [hbm4b:s4+s13], $0x40, s2, s13, $0xb8;
	[tilespmem:$0x1CF40] =	vst v63  }
0x16: {  	_ =	swait.ge [sflag:s15], $0x1900  }
0x17: {  	[sflag:s15] =	ssyncset.done $0x0  }
0x18: {  	s20 =	simm.s32 $0x0;
	s21 =	simm.s32 $0x0;
	[sflag:s15] =	ssyncadd.s32 $0xFFFFE700  }
.LBB2_2:
0x19: {  	s22 =	sshllo.u32 s21, $0x1  }
0x1a: {  	s0 =	smul.u32 $0x320, s22;
	_ =	sdelay $0x1  }
0x1b: {  	s0 =	sadd.s32 s3, s0  }
0x1c: {  	s0 =	sshrl.u32 s0, $0x3  }
0x1d: {  	s23 =	simm.s32 $0x0;
	s0 =	sadd.s32 s5, s0  }
0x1e: {  	[tilespmem:s13], [sflag:$0x3] =	stream.linear.gather [hbm4b:s0+s23], $0x320, $0x38;
	[tilespmem:$0x1CF40] =	vst v63  }
0x1f: {  	_ =	swait.ge [sflag:s12], $0x320  }
0x20: {  	[sflag:s12] =	ssyncset.done $0x0  }
0x21: {  	s31 =	sshll.u32 s21, $0xB;
	[sflag:s12] =	ssyncadd.s32 $0xFFFFFCE0  }
0x22: {  	[tilespmem:s16], [sflag:$0x2] =	stream.indirect.gather [hbm4b:s4+s13], $0x40, s13, s13, $0xb8;
	[tilespmem:$0x1CF40] =	vst v63  }
0x23: {  	s0 =	sand.u32 $0x3FFFF800, s31;
	_ =	swait.ge [sflag:s17], $0xC800  }
0x24: {  	s24 =	smul.u32 $0x640, s21;
	s0 =	sadd.s32 $0x1AF40, s0;
	[sflag:s17] =	ssyncset.done $0x0  }
0x25: {  	s25 =	smov.u32 s20;
	s26 =	simm.s32 $0x0;
	v4 =	vmov s0;
	[sflag:s17] =	ssyncadd.s32 $0xFFFF3800  }
.LBB2_3:
0x26: {  	s0 =	sadd.s32 $0xFFFFFFFB, s25  }
0x27: {  	s1 =	sadd.s32 $0x9, s0  }
0x28: {  	s28 =	sadd.s32 $0x8, s0;
	v5 =	vmov s1  }
0x29: {  	s18 =	sadd.s32 $0x7, s0;
	v6 =	vmov s28  }
0x2a: {  	s29 =	sadd.s32 $0x6, s0;
	s28 =	sadd.s32 $0xFFFFFFFB, s23;
	v8 =	vmov s18  }
0x2b: {  	s0 =	sadd.s32 $0x5, s0;
	v9 =	vmov s29;
	s31 =	sshll.u32 s28, $0x6  }
0x2c: {  	v10 =	vmov s0;
	s28 =	sadd.s32 $0x240, s31  }
0x2d: {  	v11 =	vor.u32 s28, v0;
	v5 =	vld.idx.msk [tilespmem:v5+s11+$0x0], $0xffff  }
0x2e: {  	s29 =	sadd.s32 $0x200, s31;
	v12 =	vor.u32 s28, v1;
	v7 =	vld.idx.msk [tilespmem:v6+s11+$0x0], $0xffff  }
0x2f: {  	v13 =	vor.u32 s29, v0;
	v6 =	vld.idx.msk [tilespmem:v8+s11+$0x0], $0xffff  }
0x30: {  	s30 =	sadd.s32 $0x1C0, s31;
	v17 =	vor.u32 s29, v1;
	v8 =	vld.idx.msk [tilespmem:v9+s11+$0x0], $0xffff  }
0x31: {  	v19 =	vor.u32 s30, v0;
	v9 =	vld.idx.msk [tilespmem:v10+s11+$0x0], $0xffff  }
0x32: {  	s1 =	sadd.s32 $0x180, s31;
	v25 =	vor.u32 s30, v1;
	v14 =	vld.idx.msk [tilespmem:v11+s14+$0x0], $0xffff  }
0x33: {  	v22 =	vor.u32 s1, v0;
	v15 =	vld.idx.msk [tilespmem:v12+s14+$0x0], $0xffff  }
0x34: {  	s0 =	sadd.s32 $0x140, s31;
	v24 =	vor.u32 s1, v1;
	v16 =	vld.idx.msk [tilespmem:v13+s14+$0x0], $0xffff  }
0x35: {  	v23 =	vor.u32 s0, v0;
	v18 =	vld.idx.msk [tilespmem:v17+s14+$0x0], $0xffff  }
0x36: {  	v21 =	vor.u32 s0, v1;
	v20 =	vor.u32 s0, v2;
	v10 =	vimm.f32 $0.0e+00;
	v17 =	vld.idx.msk [tilespmem:v19+s14+$0x0], $0xffff  }
0x37: {  	s31 =	simm.s32 $0x0;
	v19 =	vld.idx.msk [tilespmem:v25+s14+$0x0], $0xffff;
	v12 =	vimm.f32 $0.0e+00;
	v13 =	vimm.f32 $0.0e+00;
	v11 =	vimm.f32 $0.0e+00  }
.LBB2_4:
0x38: {  	s18 =	sadd.s32 s31, s25;
	v25 =	vor.u32 s0, v3;
	v22 =	vld.idx.msk [tilespmem:v22+s14+$0x0], $0xffff  }
0x39: {  	s0 =	sadd.s32 s31, s23;
	v26 =	vor.u32 s1, v2;
	s6 =	sadd.s32 $0x8, s18;
	s7 =	sadd.s32 $0x9, s18;
	v24 =	vld.idx.msk [tilespmem:v24+s14+$0x0], $0xffff  }
0x3a: {  	v29 =	vor.u32 s1, v3;
	s0 =	sshll.u32 s0, $0x6;
	s9 =	sadd.s32 $0x6, s18;
	s10 =	sadd.s32 $0x7, s18;
	v27 =	vmov s6;
	v28 =	vmov s7;
	v23 =	vld.idx.msk [tilespmem:v23+s14+$0x0], $0xffff  }
0x3b: {  	v32 =	vor.u32 s30, v2;
	s1 =	sadd.s32 $0x5, s18;
	v30 =	vmov s9;
	v31 =	vmov s10;
	s6 =	sadd.s32 $0x240, s0;
	v21 =	vld.idx.msk [tilespmem:v21+s14+$0x0], $0xffff  }
0x3c: {  	v35 =	vor.u32 s30, v3;
	v33 =	vmov s1;
	v34 =	vor.u32 s6, v0;
	v20 =	vld.idx.msk [tilespmem:v20+s14+$0x0], $0xffff  }
0x3d: {  	v37 =	vor.u32 s29, v2;
	v38 =	vor.u32 s28, v2;
	v36 =	vor.u32 s6, v1;
	v25 =	vld.idx.msk [tilespmem:v25+s14+$0x0], $0xffff  }
0x3e: {  	v39 =	vor.u32 s29, v3;
	v40 =	vmul.f32 v14, v5;
	v41 =	vmul.f32 v15, v5;
	v26 =	vld.idx.msk [tilespmem:v26+s14+$0x0], $0xffff  }
0x3f: {  	v15 =	vmul.f32 v16, v7;
	s29 =	sadd.s32 $0x200, s0;
	v16 =	vmul.f32 v18, v7;
	v18 =	vor.u32 s28, v3;
	s28 =	smov.u32 s6;
	v14 =	vld.idx.msk [tilespmem:v29+s14+$0x0], $0xffff  }
0x40: {  	v17 =	vmul.f32 v17, v6;
	v19 =	vmul.f32 v19, v6;
	v29 =	vor.u32 s29, v0;
	v32 =	vld.idx.msk [tilespmem:v32+s14+$0x0], $0xffff  }
0x41: {  	s30 =	sadd.s32 $0x1C0, s0;
	v42 =	vor.u32 s29, v1;
	v22 =	vmul.f32 v22, v8;
	v24 =	vmul.f32 v24, v8;
	v35 =	vld.idx.msk [tilespmem:v35+s14+$0x0], $0xffff  }
0x42: {  	v43 =	vor.u32 s30, v0;
	v23 =	vmul.f32 v23, v9;
	v21 =	vmul.f32 v21, v9;
	v37 =	vld.idx.msk [tilespmem:v37+s14+$0x0], $0xffff  }
0x43: {  	v44 =	vor.u32 s30, v1;
	v20 =	vmul.f32 v20, v9;
	v9 =	vmul.f32 v25, v9;
	v25 =	vld.idx.msk [tilespmem:v39+s14+$0x0], $0xffff  }
0x44: {  	v10 =	vadd.f32 v23, v10;
	v12 =	vadd.f32 v21, v12;
	v21 =	vmul.f32 v26, v8;
	v23 =	vld.idx.msk [tilespmem:v38+s14+$0x0], $0xffff  }
0x45: {  	v13 =	vadd.f32 v20, v13;
	v9 =	vadd.f32 v9, v11;
	v8 =	vmul.f32 v14, v8;
	v11 =	vld.idx.msk [tilespmem:v18+s14+$0x0], $0xffff  }
0x46: {  	v10 =	vadd.f32 v22, v10;
	v12 =	vadd.f32 v24, v12;
	v14 =	vmul.f32 v32, v6;
	v18 =	vld.idx.msk [tilespmem:v28+s11+$0x0], $0xffff  }
0x47: {  	v13 =	vadd.f32 v21, v13;
	v9 =	vadd.f32 v8, v9;
	v21 =	vmul.f32 v35, v6;
	v20 =	vld.idx.msk [tilespmem:v27+s11+$0x0], $0xffff  }
0x48: {  	v10 =	vadd.f32 v17, v10;
	v12 =	vadd.f32 v19, v12;
	v17 =	vmul.f32 v37, v7;
	v6 =	vld.idx.msk [tilespmem:v31+s11+$0x0], $0xffff  }
0x49: {  	v13 =	vadd.f32 v14, v13;
	v19 =	vadd.f32 v21, v9;
	v7 =	vmul.f32 v25, v7;
	v8 =	vld.idx.msk [tilespmem:v30+s11+$0x0], $0xffff  }
0x4a: {  	s31 =	sadd.s32 $0x5, s31;
	v10 =	vadd.f32 v15, v10;
	v12 =	vadd.f32 v16, v12;
	v21 =	vmul.f32 v23, v5;
	v9 =	vld.idx.msk [tilespmem:v33+s11+$0x0], $0xffff  }
0x4b: {  	p0 =	slt.u32 s31, $0x2D;
	s1 =	sadd.s32 $0x180, s0;
	v13 =	vadd.f32 v17, v13;
	v17 =	vadd.f32 v7, v19;
	v11 =	vmul.f32 v11, v5;
	v14 =	vld.idx.msk [tilespmem:v34+s14+$0x0], $0xffff  }
.Ltmp0:
0x4c: {  	v22 =	vor.u32 s1, v0;
	v10 =	vadd.f32 v40, v10;
	v12 =	vadd.f32 v41, v12;
	v5 =	vmovc v18;
	v15 =	vld.idx.msk [tilespmem:v36+s14+$0x0], $0xffff;
	(pc) =	sbr.rel @p0 .LBB2_4-.Ltmp0, $4  }
0x4d: {  	s0 =	sadd.s32 $0x140, s0;
	v24 =	vor.u32 s1, v1;
	v13 =	vadd.f32 v21, v13;
	v11 =	vadd.f32 v11, v17;
	v7 =	vmovc v20;
	v16 =	vld.idx.msk [tilespmem:v29+s14+$0x0], $0xffff  }
0x4e: {  	v23 =	vor.u32 s0, v0;
	v18 =	vld.idx.msk [tilespmem:v42+s14+$0x0], $0xffff  }
0x4f: {  	v21 =	vor.u32 s0, v1;
	v17 =	vld.idx.msk [tilespmem:v43+s14+$0x0], $0xffff  }
0x50: {  	v20 =	vor.u32 s0, v2;
	v19 =	vld.idx.msk [tilespmem:v44+s14+$0x0], $0xffff  }
0x51: {  	_ =	sdelay $0x3  }
0x52: {  	v25 =	vor.u32 s0, v3;
	v22 =	vld.idx.msk [tilespmem:v22+s14+$0x0], $0xffff  }
0x53: {  	v24 =	vld.idx.msk [tilespmem:v24+s14+$0x0], $0xffff;
	v26 =	vor.u32 s1, v2  }
0x54: {  	v23 =	vld.idx.msk [tilespmem:v23+s14+$0x0], $0xffff;
	v27 =	vor.u32 s1, v3  }
0x55: {  	v21 =	vld.idx.msk [tilespmem:v21+s14+$0x0], $0xffff;
	v28 =	vor.u32 s30, v2  }
0x56: {  	v20 =	vld.idx.msk [tilespmem:v20+s14+$0x0], $0xffff;
	v29 =	vor.u32 s30, v3  }
0x57: {  	v30 =	vor.u32 s29, v2;
	v14 =	vmul.f32 v14, v5;
	v15 =	vmul.f32 v15, v5;
	v25 =	vld.idx.msk [tilespmem:v25+s14+$0x0], $0xffff  }
0x58: {  	v31 =	vor.u32 s29, v3;
	v16 =	vmul.f32 v16, v7;
	v18 =	vmul.f32 v18, v7;
	v26 =	vld.idx.msk [tilespmem:v26+s14+$0x0], $0xffff  }
0x59: {  	v32 =	vor.u32 s28, v2;
	v17 =	vmul.f32 v17, v6;
	v27 =	vld.idx.msk [tilespmem:v27+s14+$0x0], $0xffff;
	v23 =	vmul.f32 v23, v9  }
0x5a: {  	v33 =	vor.u32 s28, v3;
	v19 =	vmul.f32 v19, v6;
	v28 =	vld.idx.msk [tilespmem:v28+s14+$0x0], $0xffff;
	v21 =	vmul.f32 v21, v9  }
0x5b: {  	v22 =	vmul.f32 v22, v8;
	v29 =	vld.idx.msk [tilespmem:v29+s14+$0x0], $0xffff;
	v20 =	vmul.f32 v20, v9;
	v10 =	vadd.f32 v23, v10  }
0x5c: {  	v49 =	vmul.f32 v24, v8;
	v50 =	vld.idx.msk [tilespmem:v30+s14+$0x0], $0xffff;
	v12 =	vadd.f32 v21, v12;
	v51 =	vmul.f32 v25, v9  }
0x5d: {  	v52 =	vld.idx.msk [tilespmem:v31+s14+$0x0], $0xffff;
	v13 =	vadd.f32 v20, v13;
	v10 =	vadd.f32 v22, v10;
	v53 =	vmul.f32 v26, v8  }
0x5e: {  	v54 =	vld.idx.msk [tilespmem:v32+s14+$0x0], $0xffff;
	v56 =	vadd.f32 v49, v12;
	v55 =	vmul.f32 v27, v8;
	v9 =	vadd.f32 v51, v11  }
0x5f: {  	v57 =	vld.idx.msk [tilespmem:v33+s14+$0x0], $0xffff;
	v58 =	vmul.f32 v28, v6;
	v10 =	vadd.f32 v17, v10;
	v13 =	vadd.f32 v53, v13  }
0x60: {  	v6 =	vmul.f32 v29, v6;
	v59 =	vadd.f32 v19, v56;
	v8 =	vadd.f32 v55, v9  }
0x61: {  	v60 =	vmul.f32 v50, v7;
	v10 =	vadd.f32 v16, v10;
	v13 =	vadd.f32 v58, v13  }
0x62: {  	s31 =	sshll.u32 s26, $0x6;
	s26 =	sadd.s32 $0x1, s26;
	v7 =	vmul.f32 v52, v7;
	v61 =	vadd.f32 v18, v59;
	v6 =	vadd.f32 v6, v8  }
0x63: {  	p0 =	sne.s32 s26, $0x10;
	v62 =	vmul.f32 v54, v5;
	v10 =	vadd.f32 v14, v10;
	v11 =	vadd.f32 v60, v13  }
.Ltmp1:
0x64: {  	s0 =	sand.u32 $0x3FFFFFC0, s31;
	v5 =	vmul.f32 v57, v5;
	v6 =	vadd.f32 v7, v6;
	v7 =	vadd.f32 v15, v61;
	(pc) =	sbr.rel @p0 .LBB2_3-.Ltmp1, $4  }
0x65: {  	[tilespmem:v4+s0+$0x0 ss:$0x1] =	vst.idx.msk $0xffff, v10;
	v63 =	vadd.f32 v62, v11  }
0x66: {  	v5 =	vadd.f32 v5, v6;
	[tilespmem:v4+s0+$0x10 ss:$0x1] =	vst.idx.msk $0xffff, v7  }
0x67: {  	[tilespmem:v4+s0+$0x20 ss:$0x1] =	vst.idx.msk $0xffff, v63  }
0x68: {  	s25 =	sadd.s32 $0x32, s25;
	s23 =	sadd.s32 $0x32, s23;
	[tilespmem:v4+s0+$0x30 ss:$0x1] =	vst.idx.msk $0xffff, v5  }
0x69: {  	p0 =	seq.s32 s21, $0x3  }
0x6a: {  	s0 =	sadd.s32 @!p0 s24, s8  }
0x6b: {  	s0 =	sshrl.u32 @!p0 s0, $0x3  }
0x6c: {  	s1 =	simm.s32 @!p0 $0x0;
	s0 =	sadd.s32 @!p0 s5, s0  }
0x6d: {  	[tilespmem:s1], [sflag:$0x3] =	stream.linear.gather @!p0 [hbm4b:s0+s1], $0x320, $0x38;
	[tilespmem:$0x1CF40] =	vst v63  }
0x6e: {  	s0 =	simm.s32 @!p0 $0x3  }
0x6f: {  	_ =	swait.ge @!p0 [sflag:s0], $0x320  }
0x70: {  	s31 =	sshll.u32 s22, $0xA;
	[sflag:s0] =	ssyncset.done @!p0 $0x0  }
0x71: {  	s6 =	simm.s32 @!p0 $0x640;
	[sflag:s0] =	ssyncadd.s32 @!p0 $0xFFFFFCE0;
	s0 =	simm.s32 @!p0 $0x320  }
0x72: {  	[tilespmem:s6], [sflag:$0x1] =	stream.indirect.gather @!p0 [hbm4b:s4+s0], $0x40, s1, s0, $0xb8;
	[tilespmem:$0x1CF40] =	vst v63  }
0x73: {  	s0 =	sand.u32 $0x3FFFFC00, s31;
	_ =	swait.ge [sflag:s15], $0xC800  }
0x74: {  	s22 =	simm.s32 $0x0;
	s0 =	sadd.s32 $0x1AF40, s0;
	[sflag:s15] =	ssyncset.done $0x0  }
0x75: {  	s23 =	smov.u32 s20;
	s24 =	simm.s32 $0x0;
	v4 =	vmov s0;
	[sflag:s15] =	ssyncadd.s32 $0xFFFF3800  }
.LBB2_7:
0x76: {  	s0 =	sadd.s32 $0xFFFFFFFB, s23  }
0x77: {  	s1 =	sadd.s32 $0x329, s0  }
0x78: {  	s6 =	sadd.s32 $0x328, s0;
	v5 =	vmov s1  }
0x79: {  	s30 =	sadd.s32 $0x327, s0;
	v6 =	vmov s6  }
0x7a: {  	s31 =	sadd.s32 $0xFFFFFFFB, s22;
	s7 =	sadd.s32 $0x326, s0;
	v8 =	vmov s30  }
0x7b: {  	s0 =	sadd.s32 $0x325, s0;
	s6 =	sshll.u32 s31, $0x6;
	v9 =	vmov s7  }
0x7c: {  	v10 =	vmov s0;
	s25 =	sadd.s32 $0x240, s6  }
0x7d: {  	v11 =	vor.u32 s25, v0;
	v5 =	vld.idx.msk [tilespmem:v5+s11+$0x0], $0xffff  }
0x7e: {  	s26 =	sadd.s32 $0x200, s6;
	v12 =	vor.u32 s25, v1;
	v7 =	vld.idx.msk [tilespmem:v6+s11+$0x0], $0xffff  }
0x7f: {  	v13 =	vor.u32 s26, v0;
	v6 =	vld.idx.msk [tilespmem:v8+s11+$0x0], $0xffff  }
0x80: {  	s28 =	sadd.s32 $0x1C0, s6;
	v17 =	vor.u32 s26, v1;
	v8 =	vld.idx.msk [tilespmem:v9+s11+$0x0], $0xffff  }
0x81: {  	v19 =	vor.u32 s28, v0;
	v9 =	vld.idx.msk [tilespmem:v10+s11+$0x0], $0xffff  }
0x82: {  	s1 =	sadd.s32 $0x180, s6;
	v25 =	vor.u32 s28, v1;
	v14 =	vld.idx.msk [tilespmem:v11+s16+$0x0], $0xffff  }
0x83: {  	v22 =	vor.u32 s1, v0;
	v15 =	vld.idx.msk [tilespmem:v12+s16+$0x0], $0xffff  }
0x84: {  	s0 =	sadd.s32 $0x140, s6;
	v24 =	vor.u32 s1, v1;
	v16 =	vld.idx.msk [tilespmem:v13+s16+$0x0], $0xffff  }
0x85: {  	v23 =	vor.u32 s0, v0;
	v18 =	vld.idx.msk [tilespmem:v17+s16+$0x0], $0xffff  }
0x86: {  	v21 =	vor.u32 s0, v1;
	v20 =	vor.u32 s0, v2;
	v10 =	vimm.f32 $0.0e+00;
	v17 =	vld.idx.msk [tilespmem:v19+s16+$0x0], $0xffff  }
0x87: {  	s29 =	simm.s32 $0x0;
	v19 =	vld.idx.msk [tilespmem:v25+s16+$0x0], $0xffff;
	v12 =	vimm.f32 $0.0e+00;
	v13 =	vimm.f32 $0.0e+00;
	v11 =	vimm.f32 $0.0e+00  }
.LBB2_8:
0x88: {  	s6 =	sadd.s32 s29, s23;
	v25 =	vor.u32 s0, v3;
	v22 =	vld.idx.msk [tilespmem:v22+s16+$0x0], $0xffff  }
0x89: {  	s0 =	sadd.s32 s29, s22;
	v26 =	vor.u32 s1, v2;
	s7 =	sadd.s32 $0x328, s6;
	s9 =	sadd.s32 $0x329, s6;
	v24 =	vld.idx.msk [tilespmem:v24+s16+$0x0], $0xffff  }
0x8a: {  	v29 =	vor.u32 s1, v3;
	s0 =	sshll.u32 s0, $0x6;
	s10 =	sadd.s32 $0x326, s6;
	s18 =	sadd.s32 $0x327, s6;
	v27 =	vmov s7;
	v28 =	vmov s9;
	v23 =	vld.idx.msk [tilespmem:v23+s16+$0x0], $0xffff  }
0x8b: {  	v32 =	vor.u32 s28, v2;
	s1 =	sadd.s32 $0x325, s6;
	v30 =	vmov s10;
	v31 =	vmov s18;
	s6 =	sadd.s32 $0x240, s0;
	v21 =	vld.idx.msk [tilespmem:v21+s16+$0x0], $0xffff  }
0x8c: {  	v35 =	vor.u32 s28, v3;
	v33 =	vmov s1;
	v34 =	vor.u32 s6, v0;
	v20 =	vld.idx.msk [tilespmem:v20+s16+$0x0], $0xffff  }
0x8d: {  	v37 =	vor.u32 s26, v2;
	v38 =	vor.u32 s25, v2;
	v36 =	vor.u32 s6, v1;
	v25 =	vld.idx.msk [tilespmem:v25+s16+$0x0], $0xffff  }
0x8e: {  	v39 =	vor.u32 s26, v3;
	v40 =	vmul.f32 v14, v5;
	v41 =	vmul.f32 v15, v5;
	v26 =	vld.idx.msk [tilespmem:v26+s16+$0x0], $0xffff  }
0x8f: {  	v15 =	vmul.f32 v16, v7;
	s26 =	sadd.s32 $0x200, s0;
	v16 =	vmul.f32 v18, v7;
	v18 =	vor.u32 s25, v3;
	s25 =	smov.u32 s6;
	v14 =	vld.idx.msk [tilespmem:v29+s16+$0x0], $0xffff  }
0x90: {  	v17 =	vmul.f32 v17, v6;
	v19 =	vmul.f32 v19, v6;
	v29 =	vor.u32 s26, v0;
	v32 =	vld.idx.msk [tilespmem:v32+s16+$0x0], $0xffff  }
0x91: {  	s28 =	sadd.s32 $0x1C0, s0;
	v42 =	vor.u32 s26, v1;
	v22 =	vmul.f32 v22, v8;
	v24 =	vmul.f32 v24, v8;
	v35 =	vld.idx.msk [tilespmem:v35+s16+$0x0], $0xffff  }
0x92: {  	v43 =	vor.u32 s28, v0;
	v23 =	vmul.f32 v23, v9;
	v21 =	vmul.f32 v21, v9;
	v37 =	vld.idx.msk [tilespmem:v37+s16+$0x0], $0xffff  }
0x93: {  	v44 =	vor.u32 s28, v1;
	v20 =	vmul.f32 v20, v9;
	v9 =	vmul.f32 v25, v9;
	v25 =	vld.idx.msk [tilespmem:v39+s16+$0x0], $0xffff  }
0x94: {  	v10 =	vadd.f32 v23, v10;
	v12 =	vadd.f32 v21, v12;
	v21 =	vmul.f32 v26, v8;
	v23 =	vld.idx.msk [tilespmem:v38+s16+$0x0], $0xffff  }
0x95: {  	v13 =	vadd.f32 v20, v13;
	v9 =	vadd.f32 v9, v11;
	v8 =	vmul.f32 v14, v8;
	v11 =	vld.idx.msk [tilespmem:v18+s16+$0x0], $0xffff  }
0x96: {  	v10 =	vadd.f32 v22, v10;
	v12 =	vadd.f32 v24, v12;
	v14 =	vmul.f32 v32, v6;
	v18 =	vld.idx.msk [tilespmem:v28+s11+$0x0], $0xffff  }
0x97: {  	v13 =	vadd.f32 v21, v13;
	v9 =	vadd.f32 v8, v9;
	v21 =	vmul.f32 v35, v6;
	v20 =	vld.idx.msk [tilespmem:v27+s11+$0x0], $0xffff  }
0x98: {  	v10 =	vadd.f32 v17, v10;
	v12 =	vadd.f32 v19, v12;
	v17 =	vmul.f32 v37, v7;
	v6 =	vld.idx.msk [tilespmem:v31+s11+$0x0], $0xffff  }
0x99: {  	v13 =	vadd.f32 v14, v13;
	v19 =	vadd.f32 v21, v9;
	v7 =	vmul.f32 v25, v7;
	v8 =	vld.idx.msk [tilespmem:v30+s11+$0x0], $0xffff  }
0x9a: {  	s29 =	sadd.s32 $0x5, s29;
	v10 =	vadd.f32 v15, v10;
	v12 =	vadd.f32 v16, v12;
	v21 =	vmul.f32 v23, v5;
	v9 =	vld.idx.msk [tilespmem:v33+s11+$0x0], $0xffff  }
0x9b: {  	p0 =	slt.u32 s29, $0x2D;
	s1 =	sadd.s32 $0x180, s0;
	v13 =	vadd.f32 v17, v13;
	v17 =	vadd.f32 v7, v19;
	v11 =	vmul.f32 v11, v5;
	v14 =	vld.idx.msk [tilespmem:v34+s16+$0x0], $0xffff  }
.Ltmp2:
0x9c: {  	v22 =	vor.u32 s1, v0;
	v10 =	vadd.f32 v40, v10;
	v12 =	vadd.f32 v41, v12;
	v5 =	vmovc v18;
	v15 =	vld.idx.msk [tilespmem:v36+s16+$0x0], $0xffff;
	(pc) =	sbr.rel @p0 .LBB2_8-.Ltmp2, $4  }
0x9d: {  	s0 =	sadd.s32 $0x140, s0;
	v24 =	vor.u32 s1, v1;
	v13 =	vadd.f32 v21, v13;
	v11 =	vadd.f32 v11, v17;
	v7 =	vmovc v20;
	v16 =	vld.idx.msk [tilespmem:v29+s16+$0x0], $0xffff  }
0x9e: {  	v23 =	vor.u32 s0, v0;
	v18 =	vld.idx.msk [tilespmem:v42+s16+$0x0], $0xffff  }
0x9f: {  	v21 =	vor.u32 s0, v1;
	v17 =	vld.idx.msk [tilespmem:v43+s16+$0x0], $0xffff  }
0xa0: {  	v20 =	vor.u32 s0, v2;
	v19 =	vld.idx.msk [tilespmem:v44+s16+$0x0], $0xffff  }
0xa1: {  	_ =	sdelay $0x3  }
0xa2: {  	v25 =	vor.u32 s0, v3;
	v22 =	vld.idx.msk [tilespmem:v22+s16+$0x0], $0xffff  }
0xa3: {  	v24 =	vld.idx.msk [tilespmem:v24+s16+$0x0], $0xffff;
	v26 =	vor.u32 s1, v2  }
0xa4: {  	v23 =	vld.idx.msk [tilespmem:v23+s16+$0x0], $0xffff;
	v27 =	vor.u32 s1, v3  }
0xa5: {  	v21 =	vld.idx.msk [tilespmem:v21+s16+$0x0], $0xffff;
	v28 =	vor.u32 s28, v2  }
0xa6: {  	v20 =	vld.idx.msk [tilespmem:v20+s16+$0x0], $0xffff;
	v29 =	vor.u32 s28, v3  }
0xa7: {  	v30 =	vor.u32 s26, v2;
	v14 =	vmul.f32 v14, v5;
	v15 =	vmul.f32 v15, v5;
	v25 =	vld.idx.msk [tilespmem:v25+s16+$0x0], $0xffff  }
0xa8: {  	v31 =	vor.u32 s26, v3;
	v16 =	vmul.f32 v16, v7;
	v18 =	vmul.f32 v18, v7;
	v26 =	vld.idx.msk [tilespmem:v26+s16+$0x0], $0xffff  }
0xa9: {  	v32 =	vor.u32 s25, v2;
	v17 =	vmul.f32 v17, v6;
	v27 =	vld.idx.msk [tilespmem:v27+s16+$0x0], $0xffff;
	v23 =	vmul.f32 v23, v9  }
0xaa: {  	v33 =	vor.u32 s25, v3;
	v19 =	vmul.f32 v19, v6;
	v28 =	vld.idx.msk [tilespmem:v28+s16+$0x0], $0xffff;
	v21 =	vmul.f32 v21, v9  }
0xab: {  	v22 =	vmul.f32 v22, v8;
	v29 =	vld.idx.msk [tilespmem:v29+s16+$0x0], $0xffff;
	v20 =	vmul.f32 v20, v9;
	v10 =	vadd.f32 v23, v10  }
0xac: {  	v49 =	vmul.f32 v24, v8;
	v50 =	vld.idx.msk [tilespmem:v30+s16+$0x0], $0xffff;
	v12 =	vadd.f32 v21, v12;
	v51 =	vmul.f32 v25, v9  }
0xad: {  	v52 =	vld.idx.msk [tilespmem:v31+s16+$0x0], $0xffff;
	v13 =	vadd.f32 v20, v13;
	v10 =	vadd.f32 v22, v10;
	v53 =	vmul.f32 v26, v8  }
0xae: {  	v54 =	vld.idx.msk [tilespmem:v32+s16+$0x0], $0xffff;
	v56 =	vadd.f32 v49, v12;
	v55 =	vmul.f32 v27, v8;
	v9 =	vadd.f32 v51, v11  }
0xaf: {  	v57 =	vld.idx.msk [tilespmem:v33+s16+$0x0], $0xffff;
	v58 =	vmul.f32 v28, v6;
	v10 =	vadd.f32 v17, v10;
	v13 =	vadd.f32 v53, v13  }
0xb0: {  	v6 =	vmul.f32 v29, v6;
	v59 =	vadd.f32 v19, v56;
	v8 =	vadd.f32 v55, v9  }
0xb1: {  	v60 =	vmul.f32 v50, v7;
	v10 =	vadd.f32 v16, v10;
	v13 =	vadd.f32 v58, v13  }
0xb2: {  	s31 =	sshll.u32 s24, $0x6;
	s24 =	sadd.s32 $0x1, s24;
	v7 =	vmul.f32 v52, v7;
	v61 =	vadd.f32 v18, v59;
	v6 =	vadd.f32 v6, v8  }
0xb3: {  	p0 =	sne.s32 s24, $0x10;
	v62 =	vmul.f32 v54, v5;
	v10 =	vadd.f32 v14, v10;
	v11 =	vadd.f32 v60, v13  }
.Ltmp3:
0xb4: {  	s0 =	sand.u32 $0x3FFFFFC0, s31;
	v5 =	vmul.f32 v57, v5;
	v6 =	vadd.f32 v7, v6;
	v7 =	vadd.f32 v15, v61;
	(pc) =	sbr.rel @p0 .LBB2_7-.Ltmp3, $4  }
0xb5: {  	[tilespmem:v4+s0+$0x0 ss:$0x1] =	vst.idx.msk $0xffff, v10;
	v63 =	vadd.f32 v62, v11  }
0xb6: {  	v5 =	vadd.f32 v5, v6;
	[tilespmem:v4+s0+$0x10 ss:$0x1] =	vst.idx.msk $0xffff, v7  }
0xb7: {  	[tilespmem:v4+s0+$0x20 ss:$0x1] =	vst.idx.msk $0xffff, v63  }
0xb8: {  	s23 =	sadd.s32 $0x32, s23;
	s22 =	sadd.s32 $0x32, s22;
	[tilespmem:v4+s0+$0x30 ss:$0x1] =	vst.idx.msk $0xffff, v5  }
0xb9: {  	s21 =	sadd.s32 $0x1, s21  }
0xba: {  	p0 =	sne.s32 s21, $0x4  }
.Ltmp4:
0xbb: {  	_ = 	snop;
	(pc) =	sbr.rel @p0 .LBB2_2-.Ltmp4, $2  }
0xbc: {  	_ =	sdelay $0x2  }
0xbd: {  	s20 =	sadd.s32 $0x640, s20  }
0xbe: {  	s0 =	rddreg [dreg:$0x4];
	s1 =	simm.s32 $0x1AF40  }
0xbf: {  	[hbm4b:s0+s2] =	stream.linear.scatter [tilespmem:s1], [sflag:$0x3], $0x2000, $0x38;
	[tilespmem:$0x1CF40] =	vst v63  }
0xc0: {  	_ =	swait.ge [sflag:s12], $0x2000  }
0xc1: {  	s19 =	sadd.s32 $0x1, s19;
	s31 =	rddreg [dreg:$0x5]  }
0xc2: {  	p0 =	sne.s32 s19, s31  }
.Ltmp5:
0xc3: {  	_ = 	snop;
	(pc) =	sbr.rel @p0 .LBB2_1-.Ltmp5, $3  }
0xc4: {  	_ =	sdelay $0x1  }
0xc5: {  	[sflag:s12] =	ssyncset.done $0x0  }
0xc6: {  	[sflag:s12] =	ssyncadd.s32 $0xFFFFE000  }
0xc7: {  	_ =	sfence.sel $0x180000  }
0xc8: {  	[bflag:$0x0] =	sbarrier.arrive $0xFFFF  }
0xc9: {  	_ =	strace $0x9000004A  }
0xca: {  	s0 =	stileid.u32;
	[bflag:$0x2] =	sbarrier.arrive $0xFFFF  }
0xcb: {  	p0 =	sne.s32 s0, $0x0;
	s0 =	rddreg [dreg:$0x1]  }
0xcc: {  	s0 =	sadd.s32 @!p0 $0x100000, s0  }
0xcd: {  	[sflag:s0] =	ssyncadd.tile.s32 @!p0 $0x1;
	_ =	shalt  }
.Lfunc_end2:
_tile_overlayer_lowered:
.L_overlay_start_2:
0xce: {  	(tag) =	ssettag $0x2  }
0xcf: {  	s0 =	rddreg [dreg:$0x0];
	s2 =	stileid.u32  }
0xd0: {  	s1 =	rddreg [dreg:$0x1];
	p0 =	sne.s32 s2, $0x0  }
0xd1: {  	s3 =	rddreg [dreg:$0x2];
	[bflag:$0x3] =	sbarrier.arrive $0xFFFF;
	s2 =	simm.s32 @!p0 $0x1C03  }
0xd2: {  	[timem:s3], [sflag:s2] =	dma.local @!p0 [hbm:s0], s1  }
0xd3: {  	s0 =	simm.s32 @!p0 $0x3  }
0xd4: {  	_ =	swait.ge @!p0 [sflag:s0], s1  }
0xd5: {  	s1 =	ssub.s32 @!p0 $0x0, s1;
	[sflag:s0] =	ssyncset.done @!p0 $0x0  }
0xd6: {  	[sflag:s0] =	ssyncadd.s32 @!p0 s1  }
0xd7: {  	[bflag:$0x3] =	sbarrier.arrive $0xFFFF  }
0xd8: {  	_ =	shalt  }

</sc_bundles>
